<compile_context>
chip_gen: v7x
topology: tpu7x:2x2x1
jax: 0.10.2.dev20260603
libtpu: 0.0.44.dev20260713+nightly
codegen_flags: <defaults>
</compile_context>

<pallas_src>
import functools

import jax
import jax.numpy as jnp
from jax import lax
from jax.experimental import pallas as pl
from jax.experimental.pallas import tpu as pltpu
from jax.experimental.pallas import tpu_sc as plsc

N, E, F, H, C, L = 10000, 160000, 256, 256, 40, 1024
FH = F // 2
NSUB = 16
EPS = E // NSUB
BLK = 128
NFB = EPS // BLK
TAIL = EPS - NFB * BLK
CHUNK = 2 * EPS
ROWS_A = 640
ROWS_TAIL = N - (NSUB - 1) * ROWS_A
DEG0 = NFB // 2


@functools.cache
def _make_sc_segsum():
    mesh = plsc.VectorSubcoreMesh(core_axis_name="c", subcore_axis_name="s")
    return functools.partial(
        pl.kernel,
        out_type=(
            jax.ShapeDtypeStruct((2, N, FH), jnp.float32),
            jax.ShapeDtypeStruct((2, N, FH), jnp.float32),
        ),
        mesh=mesh,
        scratch_types=[
            pltpu.VMEM((2 * BLK,), jnp.int32),
            pltpu.VMEM((2 * BLK,), jnp.int32),
            pltpu.VMEM((BLK,), jnp.int32),
            pltpu.VMEM((BLK,), jnp.int32),
            pltpu.VMEM((TAIL,), jnp.int32),
            pltpu.VMEM((BLK, FH), jnp.float32),
            pltpu.VMEM((BLK, FH), jnp.float32),
            pltpu.VMEM_SHARED((N, FH), jnp.float32),
            pltpu.SemaphoreType.DMA,
            pltpu.SemaphoreType.DMA,
            pltpu.SemaphoreType.DMA,
            pltpu.SemaphoreType.DMA,
            pltpu.SemaphoreType.DMA,
            pltpu.SemaphoreType.DMA,
        ],
    )(_sc_segsum_body)


def _fill(ref, nrows, val):
    def _fi(i, carry):
        def _fj(j, carry2):
            ref[i, pl.ds(j * 16, 16)] = jnp.full((16,), val, jnp.float32)
            return carry2
        return lax.fori_loop(0, FH // 16, _fj, carry)
    lax.fori_loop(0, nrows, _fi, 0)


def _sc_segsum_body(x2_hbm, eint_hbm,
                    agg_hbm, deg_hbm,
                    sidi_a, sidi_b, di_a, di_b, dit_v, rows_a, rows_b,
                    acc_sh, semG, semG_b, semI_a, semI_b, semS_a, semS_b):
    c = lax.axis_index("c")
    s = lax.axis_index("s")
    row0 = pl.multiple_of(s * ROWS_A, 8)

    def zero_my_slice(zbuf):
        @pl.when(s < NSUB - 1)
        def _():
            def _z(j, carry):
                zj = pl.multiple_of(row0 + j * BLK, 8)
                pltpu.sync_copy(zbuf, acc_sh.at[pl.ds(zj, BLK)])
                return carry
            lax.fori_loop(0, ROWS_A // BLK, _z, 0)

        @pl.when(s == NSUB - 1)
        def _():
            def _z(j, carry):
                zj = pl.multiple_of(N - ROWS_TAIL + j * BLK, 8)
                pltpu.sync_copy(zbuf, acc_sh.at[pl.ds(zj, BLK)])
                return carry
            lax.fori_loop(0, ROWS_TAIL // BLK, _z, 0)
            pltpu.sync_copy(zbuf.at[pl.ds(0, ROWS_TAIL % BLK)],
                            acc_sh.at[pl.ds(N - (ROWS_TAIL % BLK),
                                            ROWS_TAIL % BLK)])

    def copy_out_my_slice(out, cols):
        del cols
        @pl.when(s < NSUB - 1)
        def _():
            pltpu.sync_copy(acc_sh.at[pl.ds(row0, ROWS_A)],
                            out.at[c, pl.ds(row0, ROWS_A)])

        @pl.when(s == NSUB - 1)
        def _():
            pltpu.sync_copy(acc_sh.at[pl.ds(N - ROWS_TAIL, ROWS_TAIL)],
                            out.at[c, pl.ds(N - ROWS_TAIL, ROWS_TAIL)])

    _fill(rows_a, BLK, 0.0)
    zero_my_slice(rows_a)

    e0 = s * CHUNK

    def _off_si(sidi_v, nvec, carry0):
        def _off(kk, carry2):
            sidi_v[pl.ds(kk * 16, 16)] = (
                sidi_v[pl.ds(kk * 16, 16)] * 2
                + c * jnp.ones((16,), jnp.int32))
            return carry2
        return lax.fori_loop(0, nvec, _off, carry0)

    def _copy_di(sidi_v, di_v, nvec, carry0):
        def _cp(kk, carry2):
            di_v[pl.ds(kk * 16, 16)] = sidi_v[pl.ds(BLK + kk * 16, 16)]
            return carry2
        return lax.fori_loop(0, nvec, _cp, carry0)

    def _idx_load(b, sidi_v, semI):
        return pltpu.async_copy(
            eint_hbm.at[pl.ds(e0 + b * (2 * BLK), 2 * BLK)], sidi_v, semI)

    _idx_load(0, sidi_a, semI_a)
    _idx_load(1, sidi_b, semI_b)

    def _pair(k, carry):
        def _front(sidi_v, di_v, rows_v, semI, semS, semGx):
            pltpu.make_async_copy(eint_hbm.at[pl.ds(0, 2 * BLK)], sidi_v,
                                  semI).wait()

            @pl.when(k > 0)
            def _():
                pltpu.make_async_copy(rows_v, acc_sh.at[di_v], semS).wait()

            _off_si(sidi_v, BLK // 16, 0)
            _copy_di(sidi_v, di_v, BLK // 16, 0)
            pltpu.async_copy(x2_hbm.at[sidi_v.at[pl.ds(0, BLK)]], rows_v,
                             semGx)

        def _back(b, sidi_v, di_v, rows_v, semI, semS, semGx):
            pltpu.make_async_copy(x2_hbm.at[sidi_v.at[pl.ds(0, BLK)]], rows_v,
                                  semGx).wait()

            @pl.when(k < NFB // 2 - 1)
            def _():
                _idx_load(b + 2, sidi_v, semI)

            pltpu.async_copy(rows_v, acc_sh.at[di_v], semS, add=True)

        _front(sidi_a, di_a, rows_a, semI_a, semS_a, semG)
        _front(sidi_b, di_b, rows_b, semI_b, semS_b, semG_b)
        _back(2 * k, sidi_a, di_a, rows_a, semI_a, semS_a, semG)
        _back(2 * k + 1, sidi_b, di_b, rows_b, semI_b, semS_b, semG_b)
        return carry

    lax.fori_loop(0, NFB // 2, _pair, 0)
    pltpu.make_async_copy(rows_a, acc_sh.at[di_a], semS_a).wait()
    pltpu.make_async_copy(rows_b, acc_sh.at[di_b], semS_b).wait()

    t0 = e0 + NFB * 2 * BLK
    pltpu.sync_copy(eint_hbm.at[pl.ds(t0, 2 * TAIL)], sidi_a.at[pl.ds(0, 32)])
    _off_si(sidi_a, TAIL // 16, 0)
    dit_v[pl.ds(0, 16)] = sidi_a[pl.ds(TAIL, 16)]
    pltpu.async_copy(x2_hbm.at[sidi_a.at[pl.ds(0, TAIL)]],
                     rows_a.at[pl.ds(0, TAIL)], semG).wait()
    pltpu.sync_copy(rows_a.at[pl.ds(0, TAIL)],
                    acc_sh.at[dit_v], add=True)

    plsc.subcore_barrier()
    copy_out_my_slice(agg_hbm, FH)
    _fill(rows_b, BLK, 0.0)
    zero_my_slice(rows_b)
    _fill(rows_a, BLK, 1.0)
    plsc.subcore_barrier()

    def _done(k, b, di_v, semS):
        @pl.when(k > 0)
        def _():
            pltpu.make_async_copy(rows_a, acc_sh.at[di_v], semS).wait()

        be = b + DEG0 * c
        pltpu.sync_copy(eint_hbm.at[pl.ds(e0 + be * (2 * BLK) + BLK, BLK)],
                        di_v)
        pltpu.async_copy(rows_a, acc_sh.at[di_v], semS, add=True)

    def _dpair(k, carry):
        _done(k, 2 * k, di_a, semS_a)

        @pl.when(2 * k + 1 < DEG0)
        def _():
            _done(k, 2 * k + 1, di_b, semS_b)
        return carry

    lax.fori_loop(0, (DEG0 + 1) // 2, _dpair, 0)
    pltpu.make_async_copy(rows_a, acc_sh.at[di_a], semS_a).wait()
    pltpu.make_async_copy(rows_a, acc_sh.at[di_b], semS_b).wait()

    @pl.when(c == 0)
    def _():
        pltpu.sync_copy(eint_hbm.at[pl.ds(t0 + TAIL, TAIL)], dit_v)
        pltpu.sync_copy(rows_a.at[pl.ds(0, TAIL)],
                        acc_sh.at[dit_v], add=True)

    plsc.subcore_barrier()
    copy_out_my_slice(deg_hbm, 16)


def _seq_body(seq_ref, lng_ref, lnb_ref, lw_ref, lb_ref, rw_ref, rb_ref,
              wih_ref, whh_ref, bih_ref, bhh_ref, out_ref, gi_ref, l_ref):
    sv = seq_ref[...]
    mu = jnp.mean(sv, axis=-1, keepdims=True)
    var = jnp.mean((sv - mu) * (sv - mu), axis=-1, keepdims=True)
    sn = (sv - mu) / jnp.sqrt(var + 1e-5) * lng_ref[...] + lnb_ref[...]

    dn = (((1,), (1,)), ((), ()))
    lin = lax.dot_general(sn, lw_ref[...], dn,
                          preferred_element_type=jnp.float32) + lb_ref[...]
    l_ref[...] = lin * 0.5 * (1.0 + lax.erf(lin * 0.7071067811865475))
    rin = lax.dot_general(sn, rw_ref[...], dn,
                          preferred_element_type=jnp.float32) + rb_ref[...]
    gi_ref[...] = lax.dot_general(rin, wih_ref[...], dn,
                                  preferred_element_type=jnp.float32) + bih_ref[...]

    whh = whh_ref[...]
    bhh = bhh_ref[...]

    def _step(t, h):
        gi = gi_ref[pl.ds(t, 1), :]
        gh = lax.dot_general(h, whh, dn,
                             preferred_element_type=jnp.float32) + bhh
        r = jax.nn.sigmoid(gi[:, 0:H] + gh[:, 0:H])
        z = jax.nn.sigmoid(gi[:, H:2 * H] + gh[:, H:2 * H])
        n = jnp.tanh(gi[:, 2 * H:] + r * gh[:, 2 * H:])
        hn = (1.0 - z) * n + z * h
        out_ref[pl.ds(t, 1), :] = l_ref[pl.ds(t, 1), :] * hn
        return hn

    lax.fori_loop(0, L, _step, jnp.zeros((1, H), jnp.float32))


BN = 400
NBN = N // BN


def _fin_body(x_ref, agg_ref, deg_ref, row_ref, seq_ref, wl_ref, bl_ref,
              wr_ref, lw_ref, lb_ref, out_ref):
    deg = deg_ref[0, :, 0:1] + deg_ref[1, :, 0:1]
    recip = 1.0 / jnp.maximum(deg, 1.0)
    m0 = agg_ref[0] * recip
    m1 = agg_ref[1] * recip
    dn = (((1,), (1,)), ((), ()))
    wl = wl_ref[...]
    h = (lax.dot_general(m0, wl[:, :FH], dn, preferred_element_type=jnp.float32)
         + lax.dot_general(m1, wl[:, FH:], dn, preferred_element_type=jnp.float32)
         + bl_ref[...]
         + lax.dot_general(x_ref[...], wr_ref[...], dn,
                           preferred_element_type=jnp.float32))
    h = jnp.maximum(h, 0.0)

    rowv = row_ref[0, 0, :]
    onehot = (lax.broadcasted_iota(jnp.int32, (BN, L), 1)
              == rowv[:, None]).astype(jnp.float32)
    gate = lax.dot_general(onehot, seq_ref[...], (((1,), (0,)), ((), ())),
                           preferred_element_type=jnp.float32)
    h = h * gate

    logits = lax.dot_general(h, lw_ref[...], dn,
                             preferred_element_type=jnp.float32) + lb_ref[...]
    m = jnp.max(logits, axis=1, keepdims=True)
    e = jnp.exp(logits - m)
    out_ref[...] = (logits - m) - jnp.log(jnp.sum(e, axis=1, keepdims=True))


def kernel(x, edge_index, seq_reverse, seqid_reverse, row, ln_g, ln_b,
           llin_W, llin_b, rlin_W, rlin_b, gru_Wih, gru_Whh, gru_bih,
           gru_bhh, sage_Wl, sage_bl, sage_Wr, lin_W, lin_b):
    x2 = x.reshape(2 * N, FH)
    src_c = edge_index[0].reshape(NSUB, EPS)
    dst_c = edge_index[1].reshape(NSUB, EPS)
    body = jnp.concatenate([
        src_c[:, :NFB * BLK].reshape(NSUB, NFB, BLK),
        dst_c[:, :NFB * BLK].reshape(NSUB, NFB, BLK),
    ], axis=2).reshape(NSUB, NFB * 2 * BLK)
    tail = jnp.concatenate([src_c[:, NFB * BLK:], dst_c[:, NFB * BLK:]], axis=1)
    eint = jnp.concatenate([body, tail], axis=1).reshape(-1)

    agg, deg = _make_sc_segsum()(x2, eint)

    seq_out = pl.pallas_call(
        _seq_body,
        out_shape=jax.ShapeDtypeStruct((L, F), jnp.float32),
        scratch_shapes=[
            pltpu.VMEM((L, 3 * H), jnp.float32),
            pltpu.VMEM((L, H), jnp.float32),
        ],
    )(seq_reverse, ln_g.reshape(1, F), ln_b.reshape(1, F),
      llin_W, llin_b.reshape(1, H), rlin_W, rlin_b.reshape(1, H),
      gru_Wih, gru_Whh, gru_bih.reshape(1, 3 * H), gru_bhh.reshape(1, 3 * H))

    row3d = row.reshape(NBN, 1, BN)
    full = lambda *shape: pl.BlockSpec(shape, lambda i: (0,) * len(shape))
    out = pl.pallas_call(
        _fin_body,
        grid=(NBN,),
        in_specs=[
            pl.BlockSpec((BN, F), lambda i: (i, 0)),
            pl.BlockSpec((2, BN, FH), lambda i: (0, i, 0)),
            pl.BlockSpec((2, BN, FH), lambda i: (0, i, 0)),
            pl.BlockSpec((1, 1, BN), lambda i: (i, 0, 0)),
            full(L, F),
            full(H, F),
            full(1, H),
            full(H, F),
            full(C, H),
            full(1, C),
        ],
        out_specs=pl.BlockSpec((BN, C), lambda i: (i, 0)),
        out_shape=jax.ShapeDtypeStruct((N, C), jnp.float32),
    )(x, agg, deg, row3d, seq_out, sage_Wl, sage_bl.reshape(1, H),
      sage_Wr, lin_W, lin_b.reshape(1, C))
    return out

# --- scband reference (transcript-rebuilt; emitter-appended) ---
"""Pipeline reference for scband-core-model-20864951124661 (READ-ONLY COPY).

The authoritative reference and input builder live on the scoring server;
editing this copy changes nothing except your own understanding.
"""

import jax, jax.numpy as jnp
import numpy as np

N, E, F, H, C, L = 10000, 160000, 256, 256, 40, 1024

def setup_inputs(seed: int = 0) -> dict:
    key = jax.random.key(seed)
    ks = jax.random.split(key, 24)
    s = 0.05
    inp = {}
    inp['x'] = jax.random.normal(ks[0], (N, F), jnp.float32)
    inp['edge_index'] = jax.random.randint(ks[1], (2, E), 0, N, jnp.int32)
    inp['seq_reverse'] = jax.random.normal(ks[2], (L, F), jnp.float32)
    inp['seqid_reverse'] = jax.random.randint(ks[3], (L,), 0, L, jnp.int32)
    inp['row'] = jax.random.randint(ks[4], (N,), 0, L, jnp.int32)
    inp['ln_g'] = jnp.ones((F,), jnp.float32)
    inp['ln_b'] = jnp.zeros((F,), jnp.float32)
    inp['llin_W'] = jax.random.normal(ks[5], (H, F), jnp.float32) * s
    inp['llin_b'] = jnp.zeros((H,), jnp.float32)
    inp['rlin_W'] = jax.random.normal(ks[6], (H, F), jnp.float32) * s
    inp['rlin_b'] = jnp.zeros((H,), jnp.float32)
    inp['gru_Wih'] = jax.random.normal(ks[7], (3 * H, H), jnp.float32) * s
    inp['gru_Whh'] = jax.random.normal(ks[8], (3 * H, H), jnp.float32) * s
    inp['gru_bih'] = jnp.zeros((3 * H,), jnp.float32)
    inp['gru_bhh'] = jnp.zeros((3 * H,), jnp.float32)
    inp['sage_Wl'] = jax.random.normal(ks[9], (H, F), jnp.float32) * s
    inp['sage_bl'] = jnp.zeros((H,), jnp.float32)
    inp['sage_Wr'] = jax.random.normal(ks[10], (H, F), jnp.float32) * s
    inp['lin_W'] = jax.random.normal(ks[11], (C, H), jnp.float32) * s
    inp['lin_b'] = jnp.zeros((C,), jnp.float32)
    return inp

def reference(x, edge_index, seq_reverse, seqid_reverse, row, ln_g, ln_b, llin_W, llin_b, rlin_W, rlin_b, gru_Wih, gru_Whh, gru_bih, gru_bhh, sage_Wl, sage_bl, sage_Wr, lin_W, lin_b):
    # seq path: LayerNorm -> Graffin (left: Linear+GELU, right: Linear+GRU), eval-mode (dropout = identity)
    mu = jnp.mean(seq_reverse, axis=-1, keepdims=True)
    var = jnp.var(seq_reverse, axis=-1, keepdims=True)
    sn = (seq_reverse - mu) / jnp.sqrt(var + 1e-5) * ln_g + ln_b
    l = jax.nn.gelu(sn @ llin_W.T + llin_b, approximate=False)
    rin = sn @ rlin_W.T + rlin_b
    h0 = jnp.zeros((gru_Whh.shape[1],), jnp.float32)
    def step(h, xt):
        gi = gru_Wih @ xt + gru_bih
        gh = gru_Whh @ h + gru_bhh
        i_r, i_z, i_n = jnp.split(gi, 3)
        h_r, h_z, h_n = jnp.split(gh, 3)
        r = jax.nn.sigmoid(i_r + h_r)
        z = jax.nn.sigmoid(i_z + h_z)
        n = jnp.tanh(i_n + r * h_n)
        hn = (1.0 - z) * n + z * h
        return hn, hn
    _, rseq = jax.lax.scan(step, h0, rin)
    seq_out = l * rseq
    # SAGEConv: mean-aggregate src features at dst, lin_l(agg) + lin_r(x) (lin_r bias-free as in PyG)
    src = edge_index[0]
    dst = edge_index[1]
    agg = jax.ops.segment_sum(x[src], dst, num_segments=N)
    deg = jax.ops.segment_sum(jnp.ones((E,), x.dtype), dst, num_segments=N)
    mean = agg / jnp.clip(deg, 1.0)[:, None]
    h = mean @ sage_Wl.T + sage_bl + x @ sage_Wr.T
    h = jax.nn.relu(h)
    h = h * seq_out[row]
    logits = h @ lin_W.T + lin_b
    return jax.nn.log_softmax(logits, axis=1)

if __name__ == "__main__":
    import jax
    _d = setup_inputs()
    print(jax.jit(kernel)(*tuple(_d.values())))

</pallas_src>

<mosaic_0001>
#map = affine_map<(d0, d1) -> (0, 0)>
#map1 = affine_map<(d0, d1) -> (0)>
#map2 = affine_map<(d0, d1) -> (0, 0, 0)>
module attributes {stable_mosaic.version = 14 : i64} {
  func.func @_sc_segsum_body(%arg0: i32, %arg1: i32, %arg2: memref<20000x128xf32, #tpu.memory_space<hbm>>, %arg3: memref<320000xi32, #tpu.memory_space<hbm>>, %arg4: memref<2x10000x128xf32, #tpu.memory_space<hbm>>, %arg5: memref<2x10000x128xf32, #tpu.memory_space<hbm>>, %arg6: memref<256xi32, #tpu.memory_space<vmem>>, %arg7: memref<256xi32, #tpu.memory_space<vmem>>, %arg8: memref<128xi32, #tpu.memory_space<vmem>>, %arg9: memref<128xi32, #tpu.memory_space<vmem>>, %arg10: memref<16xi32, #tpu.memory_space<vmem>>, %arg11: memref<128x128xf32, #tpu.memory_space<vmem>>, %arg12: memref<128x128xf32, #tpu.memory_space<vmem>>, %arg13: memref<10000x128xf32, #tpu.memory_space<vmem_shared>>, %arg14: memref<!tpu.dma_semaphore, #tpu.memory_space<semaphore_mem>>, %arg15: memref<!tpu.dma_semaphore, #tpu.memory_space<semaphore_mem>>, %arg16: memref<!tpu.dma_semaphore, #tpu.memory_space<semaphore_mem>>, %arg17: memref<!tpu.dma_semaphore, #tpu.memory_space<semaphore_mem>>, %arg18: memref<!tpu.dma_semaphore, #tpu.memory_space<semaphore_mem>>, %arg19: memref<!tpu.dma_semaphore, #tpu.memory_space<semaphore_mem>>) attributes {dimension_semantics = [#tpu.dimension_semantics<core_parallel>, #tpu.dimension_semantics<subcore_parallel>], iteration_bounds = array<i64: 2, 16>, scalar_prefetch = 0 : i64, scratch_operands = 14 : i64, tpu.core_type = #tpu.core_type<sc_vector_subcore>, window_params = [{transform_indices = #map}, {transform_indices = #map1}, {transform_indices = #map2}, {transform_indices = #map2}]} {
    %mul3A = arith.constant 640 : i32
    %mul3A_0 = arith.muli %arg1, %mul3A : i32
    %multiple_of3A = tpu.assume_multiple %mul3A_0, 8 : i32
    %scan3A = arith.constant 0 : i32
    %scan3A_1 = arith.constant 0 : i32
    %scan3A_2 = arith.constant 128 : i32
    %scan3A_3 = arith.addi %scan3A_1, %scan3A_2 : i32
    %scan3A_4 = arith.constant 1 : i32
    scf.for %scan3A_136 = %scan3A_1 to %scan3A_3 step %scan3A_4  : i32 {
      %scan3A_137 = arith.constant 0 : i32
      %scan3A_138 = arith.constant 8 : i32
      %scan3A_139 = arith.addi %scan3A_137, %scan3A_138 : i32
      %scan3A_140 = arith.constant 1 : i32
      scf.for %scan3A_142 = %scan3A_137 to %scan3A_139 step %scan3A_140  : i32 {
        %broadcast_in_dim3A_143 = arith.constant 0.000000e+00 : f32
        %broadcast_in_dim3A_144 = vector.broadcast %broadcast_in_dim3A_143 : f32 to vector<16xf32>
        %mul3A_145 = arith.constant 16 : i32
        %mul3A_146 = arith.muli %scan3A_142, %mul3A_145 : i32
        %swap3A_147 = arith.index_cast %scan3A_136 : i32 to index
        %swap3A_148 = arith.index_cast %mul3A_146 : i32 to index
        %swap3A_149 = tpu.vector_load %arg11[%swap3A_147, %swap3A_148] {strides = array<i32>} : memref<128x128xf32, #tpu.memory_space<vmem>>, vector<1x16xf32>,
        %swap3A_150 = vector.shape_cast %swap3A_149 : vector<1x16xf32> to vector<16xf32>
        %swap3A_151 = vector.shape_cast %broadcast_in_dim3A_144 : vector<16xf32> to vector<1x16xf32>
        tpu.vector_store %arg11[%swap3A_147, %swap3A_148], %swap3A_151 {strides = array<i32>} : memref<128x128xf32, #tpu.memory_space<vmem>>, vector<1x16xf32>,
      }
      %scan3A_141 = arith.constant 8 : i32
    }
    %scan3A_5 = arith.constant 128 : i32
    %lt3A = arith.constant 15 : i32
    %lt3A_6 = arith.cmpi slt, %arg1, %lt3A : i32
    %convert_element_type3A = arith.extui %lt3A_6 : i1 to i32
    %cond3A = arith.constant 0 : i32
    %cond3A_7 = arith.cmpi ne, %convert_element_type3A, %cond3A : i32
    scf.if %cond3A_7 {
      %scan3A_136 = arith.constant 0 : i32
      %scan3A_137 = arith.constant 0 : i32
      %scan3A_138 = arith.constant 5 : i32
      %scan3A_139 = arith.addi %scan3A_137, %scan3A_138 : i32
      %scan3A_140 = arith.constant 1 : i32
      scf.for %scan3A_142 = %scan3A_137 to %scan3A_139 step %scan3A_140  : i32 {
        %mul3A_143 = arith.constant 128 : i32
        %mul3A_144 = arith.muli %scan3A_142, %mul3A_143 : i32
        %add3A_145 = arith.addi %multiple_of3A, %mul3A_144 : i32
        %multiple_of3A_146 = tpu.assume_multiple %add3A_145, 8 : i32
        "tpu.region"() ({
          %run_scoped3A = tpu.sem_alloc : memref<!tpu.dma_semaphore, #tpu.memory_space<semaphore_mem>>
          %dma_start3A_147 = arith.constant 0 : i32
          %dma_start3A_148 = tpu.memref_slice %arg13[%multiple_of3A_146, %dma_start3A_147] : memref<10000x128xf32, #tpu.memory_space<vmem_shared>> -> memref<128x128xf32, #tpu.memory_space<vmem_shared>>
          %dma_start3A_149 = arith.constant 0 : i32
          %dma_start3A_150 = tpu.memref_slice %arg13[%multiple_of3A_146, %dma_start3A_149] : memref<10000x128xf32, #tpu.memory_space<vmem_shared>> -> memref<128x128xf32, #tpu.memory_space<vmem_shared>>
          tpu.enqueue_dma source(%arg11 : memref<128x128xf32, #tpu.memory_space<vmem>>) target(%dma_start3A_150 : memref<128x128xf32, #tpu.memory_space<vmem_shared>>) target_semaphore(%run_scoped3A : memref<!tpu.dma_semaphore, #tpu.memory_space<semaphore_mem>>)
          %dma_wait3A_151 = arith.constant 0 : i32
          %dma_wait3A_152 = tpu.memref_slice %arg13[%multiple_of3A_146, %dma_wait3A_151] : memref<10000x128xf32, #tpu.memory_space<vmem_shared>> -> memref<128x128xf32, #tpu.memory_space<vmem_shared>>
          %dma_wait3A_153 = arith.constant 0 : i32
          %dma_wait3A_154 = tpu.memref_slice %arg13[%multiple_of3A_146, %dma_wait3A_153] : memref<10000x128xf32, #tpu.memory_space<vmem_shared>> -> memref<128x128xf32, #tpu.memory_space<vmem_shared>>
          tpu.wait_dma2 semaphore(%run_scoped3A : memref<!tpu.dma_semaphore, #tpu.memory_space<semaphore_mem>>) src(%arg11 : memref<128x128xf32, #tpu.memory_space<vmem>>) dst(%dma_wait3A_154 : memref<128x128xf32, #tpu.memory_space<vmem_shared>>)
          tpu.yield
        }) : () -> ()
      }
      %scan3A_141 = arith.constant 5 : i32
    } else {
    }
    %eq3A = arith.constant 15 : i32
    %eq3A_8 = arith.cmpi eq, %arg1, %eq3A : i32
    %convert_element_type3A_9 = arith.extui %eq3A_8 : i1 to i32
    %cond3A_10 = arith.constant 0 : i32
    %cond3A_11 = arith.cmpi ne, %convert_element_type3A_9, %cond3A_10 : i32
    scf.if %cond3A_11 {
      %scan3A_136 = arith.constant 0 : i32
      %scan3A_137 = arith.constant 0 : i32
      %scan3A_138 = arith.constant 3 : i32
      %scan3A_139 = arith.addi %scan3A_137, %scan3A_138 : i32
      %scan3A_140 = arith.constant 1 : i32
      scf.for %scan3A_142 = %scan3A_137 to %scan3A_139 step %scan3A_140  : i32 {
        %mul3A_143 = arith.constant 128 : i32
        %mul3A_144 = arith.muli %scan3A_142, %mul3A_143 : i32
        %add3A_145 = arith.constant 9600 : i32
        %add3A_146 = arith.addi %add3A_145, %mul3A_144 : i32
        %multiple_of3A_147 = tpu.assume_multiple %add3A_146, 8 : i32
        "tpu.region"() ({
          %run_scoped3A = tpu.sem_alloc : memref<!tpu.dma_semaphore, #tpu.memory_space<semaphore_mem>>
          %dma_start3A_148 = arith.constant 0 : i32
          %dma_start3A_149 = tpu.memref_slice %arg13[%multiple_of3A_147, %dma_start3A_148] : memref<10000x128xf32, #tpu.memory_space<vmem_shared>> -> memref<128x128xf32, #tpu.memory_space<vmem_shared>>
          %dma_start3A_150 = arith.constant 0 : i32
          %dma_start3A_151 = tpu.memref_slice %arg13[%multiple_of3A_147, %dma_start3A_150] : memref<10000x128xf32, #tpu.memory_space<vmem_shared>> -> memref<128x128xf32, #tpu.memory_space<vmem_shared>>
          tpu.enqueue_dma source(%arg11 : memref<128x128xf32, #tpu.memory_space<vmem>>) target(%dma_start3A_151 : memref<128x128xf32, #tpu.memory_space<vmem_shared>>) target_semaphore(%run_scoped3A : memref<!tpu.dma_semaphore, #tpu.memory_space<semaphore_mem>>)
          %dma_wait3A_152 = arith.constant 0 : i32
          %dma_wait3A_153 = tpu.memref_slice %arg13[%multiple_of3A_147, %dma_wait3A_152] : memref<10000x128xf32, #tpu.memory_space<vmem_shared>> -> memref<128x128xf32, #tpu.memory_space<vmem_shared>>
          %dma_wait3A_154 = arith.constant 0 : i32
          %dma_wait3A_155 = tpu.memref_slice %arg13[%multiple_of3A_147, %dma_wait3A_154] : memref<10000x128xf32, #tpu.memory_space<vmem_shared>> -> memref<128x128xf32, #tpu.memory_space<vmem_shared>>
          tpu.wait_dma2 semaphore(%run_scoped3A : memref<!tpu.dma_semaphore, #tpu.memory_space<semaphore_mem>>) src(%arg11 : memref<128x128xf32, #tpu.memory_space<vmem>>) dst(%dma_wait3A_155 : memref<128x128xf32, #tpu.memory_space<vmem_shared>>)
          tpu.yield
        }) : () -> ()
      }
      %scan3A_141 = arith.constant 3 : i32
      "tpu.region"() ({
        %run_scoped3A = tpu.sem_alloc : memref<!tpu.dma_semaphore, #tpu.memory_space<semaphore_mem>>
        %dma_start3A_142 = arith.constant 0 : i32
        %dma_start3A_143 = arith.constant 0 : i32
        %dma_start3A_144 = tpu.memref_slice %arg11[%dma_start3A_142, %dma_start3A_143] : memref<128x128xf32, #tpu.memory_space<vmem>> -> memref<16x128xf32, #tpu.memory_space<vmem>>
        %dma_start3A_145 = arith.constant 9984 : i32
        %dma_start3A_146 = arith.constant 0 : i32
        %dma_start3A_147 = tpu.memref_slice %arg13[%dma_start3A_145, %dma_start3A_146] : memref<10000x128xf32, #tpu.memory_space<vmem_shared>> -> memref<16x128xf32, #tpu.memory_space<vmem_shared>>
        %dma_start3A_148 = arith.constant 9984 : i32
        %dma_start3A_149 = arith.constant 0 : i32
        %dma_start3A_150 = tpu.memref_slice %arg13[%dma_start3A_148, %dma_start3A_149] : memref<10000x128xf32, #tpu.memory_space<vmem_shared>> -> memref<16x128xf32, #tpu.memory_space<vmem_shared>>
        %dma_start3A_151 = arith.constant 0 : i32
        %dma_start3A_152 = arith.constant 0 : i32
        %dma_start3A_153 = tpu.memref_slice %arg11[%dma_start3A_151, %dma_start3A_152] : memref<128x128xf32, #tpu.memory_space<vmem>> -> memref<16x128xf32, #tpu.memory_space<vmem>>
        tpu.enqueue_dma source(%dma_start3A_153 : memref<16x128xf32, #tpu.memory_space<vmem>>) target(%dma_start3A_150 : memref<16x128xf32, #tpu.memory_space<vmem_shared>>) target_semaphore(%run_scoped3A : memref<!tpu.dma_semaphore, #tpu.memory_space<semaphore_mem>>)
        %dma_wait3A_154 = arith.constant 0 : i32
        %dma_wait3A_155 = arith.constant 0 : i32
        %dma_wait3A_156 = tpu.memref_slice %arg11[%dma_wait3A_154, %dma_wait3A_155] : memref<128x128xf32, #tpu.memory_space<vmem>> -> memref<16x128xf32, #tpu.memory_space<vmem>>
        %dma_wait3A_157 = arith.constant 9984 : i32
        %dma_wait3A_158 = arith.constant 0 : i32
        %dma_wait3A_159 = tpu.memref_slice %arg13[%dma_wait3A_157, %dma_wait3A_158] : memref<10000x128xf32, #tpu.memory_space<vmem_shared>> -> memref<16x128xf32, #tpu.memory_space<vmem_shared>>
        %dma_wait3A_160 = arith.constant 9984 : i32
        %dma_wait3A_161 = arith.constant 0 : i32
        %dma_wait3A_162 = tpu.memref_slice %arg13[%dma_wait3A_160, %dma_wait3A_161] : memref<10000x128xf32, #tpu.memory_space<vmem_shared>> -> memref<16x128xf32, #tpu.memory_space<vmem_shared>>
        %dma_wait3A_163 = arith.constant 0 : i32
        %dma_wait3A_164 = arith.constant 0 : i32
        %dma_wait3A_165 = tpu.memref_slice %arg11[%dma_wait3A_163, %dma_wait3A_164] : memref<128x128xf32, #tpu.memory_space<vmem>> -> memref<16x128xf32, #tpu.memory_space<vmem>>
        tpu.wait_dma2 semaphore(%run_scoped3A : memref<!tpu.dma_semaphore, #tpu.memory_space<semaphore_mem>>) src(%dma_wait3A_165 : memref<16x128xf32, #tpu.memory_space<vmem>>) dst(%dma_wait3A_162 : memref<16x128xf32, #tpu.memory_space<vmem_shared>>)
        tpu.yield
      }) : () -> ()
    } else {
    }
    %mul3A_12 = arith.constant 20000 : i32
    %mul3A_13 = arith.muli %arg1, %mul3A_12 : i32
    %add3A = arith.constant 0 : i32
    %add3A_14 = arith.addi %mul3A_13, %add3A : i32
    %dma_start3A = tpu.memref_slice %arg3[%add3A_14] : memref<320000xi32, #tpu.memory_space<hbm>> -> memref<256xi32, #tpu.memory_space<hbm>>
    %dma_start3A_15 = tpu.memref_slice %arg3[%add3A_14] : memref<320000xi32, #tpu.memory_space<hbm>> -> memref<256xi32, #tpu.memory_space<hbm>>
    tpu.enqueue_dma source(%dma_start3A_15 : memref<256xi32, #tpu.memory_space<hbm>>) target(%arg6 : memref<256xi32, #tpu.memory_space<vmem>>) target_semaphore(%arg16 : memref<!tpu.dma_semaphore, #tpu.memory_space<semaphore_mem>>)
    %add3A_16 = arith.constant 256 : i32
    %add3A_17 = arith.addi %mul3A_13, %add3A_16 : i32
    %dma_start3A_18 = tpu.memref_slice %arg3[%add3A_17] : memref<320000xi32, #tpu.memory_space<hbm>> -> memref<256xi32, #tpu.memory_space<hbm>>
    %dma_start3A_19 = tpu.memref_slice %arg3[%add3A_17] : memref<320000xi32, #tpu.memory_space<hbm>> -> memref<256xi32, #tpu.memory_space<hbm>>
    tpu.enqueue_dma source(%dma_start3A_19 : memref<256xi32, #tpu.memory_space<hbm>>) target(%arg7 : memref<256xi32, #tpu.memory_space<vmem>>) target_semaphore(%arg17 : memref<!tpu.dma_semaphore, #tpu.memory_space<semaphore_mem>>)
    %scan3A_20 = arith.constant 0 : i32
    %scan3A_21 = arith.constant 0 : i32
    %scan3A_22 = arith.constant 39 : i32
    %scan3A_23 = arith.addi %scan3A_21, %scan3A_22 : i32
    %scan3A_24 = arith.constant 1 : i32
    scf.for %scan3A_136 = %scan3A_21 to %scan3A_23 step %scan3A_24  : i32 {
      %dma_wait3A_137 = arith.constant 0 : i32
      %dma_wait3A_138 = tpu.memref_slice %arg3[%dma_wait3A_137] : memref<320000xi32, #tpu.memory_space<hbm>> -> memref<256xi32, #tpu.memory_space<hbm>>
      %dma_wait3A_139 = arith.constant 0 : i32
      %dma_wait3A_140 = tpu.memref_slice %arg3[%dma_wait3A_139] : memref<320000xi32, #tpu.memory_space<hbm>> -> memref<256xi32, #tpu.memory_space<hbm>>
      tpu.wait_dma2 semaphore(%arg16 : memref<!tpu.dma_semaphore, #tpu.memory_space<semaphore_mem>>) src(%dma_wait3A_140 : memref<256xi32, #tpu.memory_space<hbm>>) dst(%arg6 : memref<256xi32, #tpu.memory_space<vmem>>)
      %gt3A = arith.constant 0 : i32
      %gt3A_141 = arith.cmpi sgt, %scan3A_136, %gt3A : i32
      %convert_element_type3A_142 = arith.extui %gt3A_141 : i1 to i32
      %cond3A_143 = arith.constant 0 : i32
      %cond3A_144 = arith.cmpi ne, %convert_element_type3A_142, %cond3A_143 : i32
      scf.if %cond3A_144 {
        %dma_wait3A_220 = arith.constant 0 : i32
        %dma_wait3A_221 = arith.constant 0 : i32
        %dma_wait3A_222 = tpu.memref_slice %arg13[%dma_wait3A_220, %dma_wait3A_221] : memref<10000x128xf32, #tpu.memory_space<vmem_shared>> -> memref<10000x128xf32, #tpu.memory_space<vmem_shared>>
        tpu.wait_indirect_dma semaphore(%arg18 : memref<!tpu.dma_semaphore, #tpu.memory_space<semaphore_mem>>) src(%arg11 : memref<128x128xf32, #tpu.memory_space<vmem>>) dst(%dma_wait3A_222 : memref<10000x128xf32, #tpu.memory_space<vmem_shared>>)
      } else {
      }
      %scan3A_145 = arith.constant 0 : i32
      %scan3A_146 = arith.constant 0 : i32
      %scan3A_147 = arith.constant 8 : i32
      %scan3A_148 = arith.addi %scan3A_146, %scan3A_147 : i32
      %scan3A_149 = arith.constant 1 : i32
      scf.for %scan3A_220 = %scan3A_146 to %scan3A_148 step %scan3A_149  : i32 {
        %mul3A_221 = arith.constant 16 : i32
        %mul3A_222 = arith.muli %scan3A_220, %mul3A_221 : i32
        %get3A_223 = arith.index_cast %mul3A_222 : i32 to index
        %get3A_224 = tpu.vector_load %arg6[%get3A_223] {strides = array<i32>} : memref<256xi32, #tpu.memory_space<vmem>>, vector<16xi32>,
        %get3A_225 = vector.shape_cast %get3A_224 : vector<16xi32> to vector<16xi32>
        %mul3A_226 = arith.constant 2 : i32
        %mul3A_227 = vector.broadcast %mul3A_226 : i32 to vector<16xi32>
        %mul3A_228 = arith.muli %get3A_225, %mul3A_227 : vector<16xi32>
        %broadcast_in_dim3A_229 = arith.constant 1 : i32
        %broadcast_in_dim3A_230 = vector.broadcast %broadcast_in_dim3A_229 : i32 to vector<16xi32>
        %mul3A_231 = vector.broadcast %arg0 : i32 to vector<16xi32>
        %mul3A_232 = arith.muli %mul3A_231, %broadcast_in_dim3A_230 : vector<16xi32>
        %add3A_233 = arith.addi %mul3A_228, %mul3A_232 : vector<16xi32>
        %mul3A_234 = arith.constant 16 : i32
        %mul3A_235 = arith.muli %scan3A_220, %mul3A_234 : i32
        %swap3A_236 = arith.index_cast %mul3A_235 : i32 to index
        %swap3A_237 = tpu.vector_load %arg6[%swap3A_236] {strides = array<i32>} : memref<256xi32, #tpu.memory_space<vmem>>, vector<16xi32>,
        %swap3A_238 = vector.shape_cast %swap3A_237 : vector<16xi32> to vector<16xi32>
        %swap3A_239 = vector.shape_cast %add3A_233 : vector<16xi32> to vector<16xi32>
        tpu.vector_store %arg6[%swap3A_236], %swap3A_239 {strides = array<i32>} : memref<256xi32, #tpu.memory_space<vmem>>, vector<16xi32>,
      }
      %scan3A_150 = arith.constant 8 : i32
      %scan3A_151 = arith.constant 0 : i32
      %scan3A_152 = arith.constant 0 : i32
      %scan3A_153 = arith.constant 8 : i32
      %scan3A_154 = arith.addi %scan3A_152, %scan3A_153 : i32
      %scan3A_155 = arith.constant 1 : i32
      scf.for %scan3A_220 = %scan3A_152 to %scan3A_154 step %scan3A_155  : i32 {
        %mul3A_221 = arith.constant 16 : i32
        %mul3A_222 = arith.muli %scan3A_220, %mul3A_221 : i32
        %add3A_223 = arith.constant 128 : i32
        %add3A_224 = arith.addi %add3A_223, %mul3A_222 : i32
        %get3A_225 = arith.index_cast %add3A_224 : i32 to index
        %get3A_226 = tpu.vector_load %arg6[%get3A_225] {strides = array<i32>} : memref<256xi32, #tpu.memory_space<vmem>>, vector<16xi32>,
        %get3A_227 = vector.shape_cast %get3A_226 : vector<16xi32> to vector<16xi32>
        %mul3A_228 = arith.constant 16 : i32
        %mul3A_229 = arith.muli %scan3A_220, %mul3A_228 : i32
        %swap3A_230 = arith.index_cast %mul3A_229 : i32 to index
        %swap3A_231 = tpu.vector_load %arg8[%swap3A_230] {strides = array<i32>} : memref<128xi32, #tpu.memory_space<vmem>>, vector<16xi32>,
        %swap3A_232 = vector.shape_cast %swap3A_231 : vector<16xi32> to vector<16xi32>
        %swap3A_233 = vector.shape_cast %get3A_227 : vector<16xi32> to vector<16xi32>
        tpu.vector_store %arg8[%swap3A_230], %swap3A_233 {strides = array<i32>} : memref<128xi32, #tpu.memory_space<vmem>>, vector<16xi32>,
      }
      %scan3A_156 = arith.constant 8 : i32
      %dma_start3A_157 = arith.constant 0 : i32
      %dma_start3A_158 = tpu.memref_slice %arg6[%dma_start3A_157] : memref<256xi32, #tpu.memory_space<vmem>> -> memref<128xi32, #tpu.memory_space<vmem>>
      %dma_start3A_159 = arith.constant 0 : i32
      %dma_start3A_160 = arith.constant 0 : i32
      %dma_start3A_161 = tpu.memref_slice %arg2[%dma_start3A_159, %dma_start3A_160] : memref<20000x128xf32, #tpu.memory_space<hbm>> -> memref<20000x128xf32, #tpu.memory_space<hbm>>
      tpu.enqueue_indirect_dma source(%dma_start3A_161 : memref<20000x128xf32, #tpu.memory_space<hbm>>) target(%arg11 : memref<128x128xf32, #tpu.memory_space<vmem>>) offsets(%dma_start3A_158 : memref<128xi32, #tpu.memory_space<vmem>>) semaphore(%arg14 : memref<!tpu.dma_semaphore, #tpu.memory_space<semaphore_mem>>)
      %dma_wait3A_162 = arith.constant 0 : i32
      %dma_wait3A_163 = tpu.memref_slice %arg3[%dma_wait3A_162] : memref<320000xi32, #tpu.memory_space<hbm>> -> memref<256xi32, #tpu.memory_space<hbm>>
      %dma_wait3A_164 = arith.constant 0 : i32
      %dma_wait3A_165 = tpu.memref_slice %arg3[%dma_wait3A_164] : memref<320000xi32, #tpu.memory_space<hbm>> -> memref<256xi32, #tpu.memory_space<hbm>>
      tpu.wait_dma2 semaphore(%arg17 : memref<!tpu.dma_semaphore, #tpu.memory_space<semaphore_mem>>) src(%dma_wait3A_165 : memref<256xi32, #tpu.memory_space<hbm>>) dst(%arg7 : memref<256xi32, #tpu.memory_space<vmem>>)
      %gt3A_166 = arith.constant 0 : i32
      %gt3A_167 = arith.cmpi sgt, %scan3A_136, %gt3A_166 : i32
      %convert_element_type3A_168 = arith.extui %gt3A_167 : i1 to i32
      %cond3A_169 = arith.constant 0 : i32
      %cond3A_170 = arith.cmpi ne, %convert_element_type3A_168, %cond3A_169 : i32
      scf.if %cond3A_170 {
        %dma_wait3A_220 = arith.constant 0 : i32
        %dma_wait3A_221 = arith.constant 0 : i32
        %dma_wait3A_222 = tpu.memref_slice %arg13[%dma_wait3A_220, %dma_wait3A_221] : memref<10000x128xf32, #tpu.memory_space<vmem_shared>> -> memref<10000x128xf32, #tpu.memory_space<vmem_shared>>
        tpu.wait_indirect_dma semaphore(%arg19 : memref<!tpu.dma_semaphore, #tpu.memory_space<semaphore_mem>>) src(%arg12 : memref<128x128xf32, #tpu.memory_space<vmem>>) dst(%dma_wait3A_222 : memref<10000x128xf32, #tpu.memory_space<vmem_shared>>)
      } else {
      }
      %scan3A_171 = arith.constant 0 : i32
      %scan3A_172 = arith.constant 0 : i32
      %scan3A_173 = arith.constant 8 : i32
      %scan3A_174 = arith.addi %scan3A_172, %scan3A_173 : i32
      %scan3A_175 = arith.constant 1 : i32
      scf.for %scan3A_220 = %scan3A_172 to %scan3A_174 step %scan3A_175  : i32 {
        %mul3A_221 = arith.constant 16 : i32
        %mul3A_222 = arith.muli %scan3A_220, %mul3A_221 : i32
        %get3A_223 = arith.index_cast %mul3A_222 : i32 to index
        %get3A_224 = tpu.vector_load %arg7[%get3A_223] {strides = array<i32>} : memref<256xi32, #tpu.memory_space<vmem>>, vector<16xi32>,
        %get3A_225 = vector.shape_cast %get3A_224 : vector<16xi32> to vector<16xi32>
        %mul3A_226 = arith.constant 2 : i32
        %mul3A_227 = vector.broadcast %mul3A_226 : i32 to vector<16xi32>
        %mul3A_228 = arith.muli %get3A_225, %mul3A_227 : vector<16xi32>
        %broadcast_in_dim3A_229 = arith.constant 1 : i32
        %broadcast_in_dim3A_230 = vector.broadcast %broadcast_in_dim3A_229 : i32 to vector<16xi32>
        %mul3A_231 = vector.broadcast %arg0 : i32 to vector<16xi32>
        %mul3A_232 = arith.muli %mul3A_231, %broadcast_in_dim3A_230 : vector<16xi32>
        %add3A_233 = arith.addi %mul3A_228, %mul3A_232 : vector<16xi32>
        %mul3A_234 = arith.constant 16 : i32
        %mul3A_235 = arith.muli %scan3A_220, %mul3A_234 : i32
        %swap3A_236 = arith.index_cast %mul3A_235 : i32 to index
        %swap3A_237 = tpu.vector_load %arg7[%swap3A_236] {strides = array<i32>} : memref<256xi32, #tpu.memory_space<vmem>>, vector<16xi32>,
        %swap3A_238 = vector.shape_cast %swap3A_237 : vector<16xi32> to vector<16xi32>
        %swap3A_239 = vector.shape_cast %add3A_233 : vector<16xi32> to vector<16xi32>
        tpu.vector_store %arg7[%swap3A_236], %swap3A_239 {strides = array<i32>} : memref<256xi32, #tpu.memory_space<vmem>>, vector<16xi32>,
      }
      %scan3A_176 = arith.constant 8 : i32
      %scan3A_177 = arith.constant 0 : i32
      %scan3A_178 = arith.constant 0 : i32
      %scan3A_179 = arith.constant 8 : i32
      %scan3A_180 = arith.addi %scan3A_178, %scan3A_179 : i32
      %scan3A_181 = arith.constant 1 : i32
      scf.for %scan3A_220 = %scan3A_178 to %scan3A_180 step %scan3A_181  : i32 {
        %mul3A_221 = arith.constant 16 : i32
        %mul3A_222 = arith.muli %scan3A_220, %mul3A_221 : i32
        %add3A_223 = arith.constant 128 : i32
        %add3A_224 = arith.addi %add3A_223, %mul3A_222 : i32
        %get3A_225 = arith.index_cast %add3A_224 : i32 to index
        %get3A_226 = tpu.vector_load %arg7[%get3A_225] {strides = array<i32>} : memref<256xi32, #tpu.memory_space<vmem>>, vector<16xi32>,
        %get3A_227 = vector.shape_cast %get3A_226 : vector<16xi32> to vector<16xi32>
        %mul3A_228 = arith.constant 16 : i32
        %mul3A_229 = arith.muli %scan3A_220, %mul3A_228 : i32
        %swap3A_230 = arith.index_cast %mul3A_229 : i32 to index
        %swap3A_231 = tpu.vector_load %arg9[%swap3A_230] {strides = array<i32>} : memref<128xi32, #tpu.memory_space<vmem>>, vector<16xi32>,
        %swap3A_232 = vector.shape_cast %swap3A_231 : vector<16xi32> to vector<16xi32>
        %swap3A_233 = vector.shape_cast %get3A_227 : vector<16xi32> to vector<16xi32>
        tpu.vector_store %arg9[%swap3A_230], %swap3A_233 {strides = array<i32>} : memref<128xi32, #tpu.memory_space<vmem>>, vector<16xi32>,
      }
      %scan3A_182 = arith.constant 8 : i32
      %dma_start3A_183 = arith.constant 0 : i32
      %dma_start3A_184 = tpu.memref_slice %arg7[%dma_start3A_183] : memref<256xi32, #tpu.memory_space<vmem>> -> memref<128xi32, #tpu.memory_space<vmem>>
      %dma_start3A_185 = arith.constant 0 : i32
      %dma_start3A_186 = arith.constant 0 : i32
      %dma_start3A_187 = tpu.memref_slice %arg2[%dma_start3A_185, %dma_start3A_186] : memref<20000x128xf32, #tpu.memory_space<hbm>> -> memref<20000x128xf32, #tpu.memory_space<hbm>>
      tpu.enqueue_indirect_dma source(%dma_start3A_187 : memref<20000x128xf32, #tpu.memory_space<hbm>>) target(%arg12 : memref<128x128xf32, #tpu.memory_space<vmem>>) offsets(%dma_start3A_184 : memref<128xi32, #tpu.memory_space<vmem>>) semaphore(%arg15 : memref<!tpu.dma_semaphore, #tpu.memory_space<semaphore_mem>>)
      %mul3A_188 = arith.constant 2 : i32
      %mul3A_189 = arith.muli %mul3A_188, %scan3A_136 : i32
      %dma_wait3A_190 = arith.constant 0 : i32
      %dma_wait3A_191 = tpu.memref_slice %arg6[%dma_wait3A_190] : memref<256xi32, #tpu.memory_space<vmem>> -> memref<128xi32, #tpu.memory_space<vmem>>
      %dma_wait3A_192 = arith.constant 0 : i32
      %dma_wait3A_193 = arith.constant 0 : i32
      %dma_wait3A_194 = tpu.memref_slice %arg2[%dma_wait3A_192, %dma_wait3A_193] : memref<20000x128xf32, #tpu.memory_space<hbm>> -> memref<20000x128xf32, #tpu.memory_space<hbm>>
      tpu.wait_indirect_dma semaphore(%arg14 : memref<!tpu.dma_semaphore, #tpu.memory_space<semaphore_mem>>) src(%dma_wait3A_194 : memref<20000x128xf32, #tpu.memory_space<hbm>>) dst(%arg11 : memref<128x128xf32, #tpu.memory_space<vmem>>)
      %lt3A_195 = arith.constant 38 : i32
      %lt3A_196 = arith.cmpi slt, %scan3A_136, %lt3A_195 : i32
      %convert_element_type3A_197 = arith.extui %lt3A_196 : i1 to i32
      %cond3A_198 = arith.constant 0 : i32
      %cond3A_199 = arith.cmpi ne, %convert_element_type3A_197, %cond3A_198 : i32
      scf.if %cond3A_199 {
        %add3A_220 = arith.constant 2 : i32
        %add3A_221 = arith.addi %mul3A_189, %add3A_220 : i32
        %mul3A_222 = arith.constant 256 : i32
        %mul3A_223 = arith.muli %add3A_221, %mul3A_222 : i32
        %add3A_224 = arith.addi %mul3A_13, %mul3A_223 : i32
        %dma_start3A_225 = tpu.memref_slice %arg3[%add3A_224] : memref<320000xi32, #tpu.memory_space<hbm>> -> memref<256xi32, #tpu.memory_space<hbm>>
        %dma_start3A_226 = tpu.memref_slice %arg3[%add3A_224] : memref<320000xi32, #tpu.memory_space<hbm>> -> memref<256xi32, #tpu.memory_space<hbm>>
        tpu.enqueue_dma source(%dma_start3A_226 : memref<256xi32, #tpu.memory_space<hbm>>) target(%arg6 : memref<256xi32, #tpu.memory_space<vmem>>) target_semaphore(%arg16 : memref<!tpu.dma_semaphore, #tpu.memory_space<semaphore_mem>>)
      } else {
      }
      %dma_start3A_200 = arith.constant 0 : i32
      %dma_start3A_201 = arith.constant 0 : i32
      %dma_start3A_202 = tpu.memref_slice %arg13[%dma_start3A_200, %dma_start3A_201] : memref<10000x128xf32, #tpu.memory_space<vmem_shared>> -> memref<10000x128xf32, #tpu.memory_space<vmem_shared>>
      tpu.enqueue_indirect_dma source(%arg11 : memref<128x128xf32, #tpu.memory_space<vmem>>) target(%dma_start3A_202 : memref<10000x128xf32, #tpu.memory_space<vmem_shared>>) offsets(%arg8 : memref<128xi32, #tpu.memory_space<vmem>>) semaphore(%arg18 : memref<!tpu.dma_semaphore, #tpu.memory_space<semaphore_mem>>) {add = true}
      %mul3A_203 = arith.constant 2 : i32
      %mul3A_204 = arith.muli %mul3A_203, %scan3A_136 : i32
      %add3A_205 = arith.constant 1 : i32
      %add3A_206 = arith.addi %mul3A_204, %add3A_205 : i32
      %dma_wait3A_207 = arith.constant 0 : i32
      %dma_wait3A_208 = tpu.memref_slice %arg7[%dma_wait3A_207] : memref<256xi32, #tpu.memory_space<vmem>> -> memref<128xi32, #tpu.memory_space<vmem>>
      %dma_wait3A_209 = arith.constant 0 : i32
      %dma_wait3A_210 = arith.constant 0 : i32
      %dma_wait3A_211 = tpu.memref_slice %arg2[%dma_wait3A_209, %dma_wait3A_210] : memref<20000x128xf32, #tpu.memory_space<hbm>> -> memref<20000x128xf32, #tpu.memory_space<hbm>>
      tpu.wait_indirect_dma semaphore(%arg15 : memref<!tpu.dma_semaphore, #tpu.memory_space<semaphore_mem>>) src(%dma_wait3A_211 : memref<20000x128xf32, #tpu.memory_space<hbm>>) dst(%arg12 : memref<128x128xf32, #tpu.memory_space<vmem>>)
      %lt3A_212 = arith.constant 38 : i32
      %lt3A_213 = arith.cmpi slt, %scan3A_136, %lt3A_212 : i32
      %convert_element_type3A_214 = arith.extui %lt3A_213 : i1 to i32
      %cond3A_215 = arith.constant 0 : i32
      %cond3A_216 = arith.cmpi ne, %convert_element_type3A_214, %cond3A_215 : i32
      scf.if %cond3A_216 {
        %add3A_220 = arith.constant 2 : i32
        %add3A_221 = arith.addi %add3A_206, %add3A_220 : i32
        %mul3A_222 = arith.constant 256 : i32
        %mul3A_223 = arith.muli %add3A_221, %mul3A_222 : i32
        %add3A_224 = arith.addi %mul3A_13, %mul3A_223 : i32
        %dma_start3A_225 = tpu.memref_slice %arg3[%add3A_224] : memref<320000xi32, #tpu.memory_space<hbm>> -> memref<256xi32, #tpu.memory_space<hbm>>
        %dma_start3A_226 = tpu.memref_slice %arg3[%add3A_224] : memref<320000xi32, #tpu.memory_space<hbm>> -> memref<256xi32, #tpu.memory_space<hbm>>
        tpu.enqueue_dma source(%dma_start3A_226 : memref<256xi32, #tpu.memory_space<hbm>>) target(%arg7 : memref<256xi32, #tpu.memory_space<vmem>>) target_semaphore(%arg17 : memref<!tpu.dma_semaphore, #tpu.memory_space<semaphore_mem>>)
      } else {
      }
      %dma_start3A_217 = arith.constant 0 : i32
      %dma_start3A_218 = arith.constant 0 : i32
      %dma_start3A_219 = tpu.memref_slice %arg13[%dma_start3A_217, %dma_start3A_218] : memref<10000x128xf32, #tpu.memory_space<vmem_shared>> -> memref<10000x128xf32, #tpu.memory_space<vmem_shared>>
      tpu.enqueue_indirect_dma source(%arg12 : memref<128x128xf32, #tpu.memory_space<vmem>>) target(%dma_start3A_219 : memref<10000x128xf32, #tpu.memory_space<vmem_shared>>) offsets(%arg9 : memref<128xi32, #tpu.memory_space<vmem>>) semaphore(%arg19 : memref<!tpu.dma_semaphore, #tpu.memory_space<semaphore_mem>>) {add = true}
    }
    %scan3A_25 = arith.constant 39 : i32
    %dma_wait3A = arith.constant 0 : i32
    %dma_wait3A_26 = arith.constant 0 : i32
    %dma_wait3A_27 = tpu.memref_slice %arg13[%dma_wait3A, %dma_wait3A_26] : memref<10000x128xf32, #tpu.memory_space<vmem_shared>> -> memref<10000x128xf32, #tpu.memory_space<vmem_shared>>
    tpu.wait_indirect_dma semaphore(%arg18 : memref<!tpu.dma_semaphore, #tpu.memory_space<semaphore_mem>>) src(%arg11 : memref<128x128xf32, #tpu.memory_space<vmem>>) dst(%dma_wait3A_27 : memref<10000x128xf32, #tpu.memory_space<vmem_shared>>)
    %dma_wait3A_28 = arith.constant 0 : i32
    %dma_wait3A_29 = arith.constant 0 : i32
    %dma_wait3A_30 = tpu.memref_slice %arg13[%dma_wait3A_28, %dma_wait3A_29] : memref<10000x128xf32, #tpu.memory_space<vmem_shared>> -> memref<10000x128xf32, #tpu.memory_space<vmem_shared>>
    tpu.wait_indirect_dma semaphore(%arg19 : memref<!tpu.dma_semaphore, #tpu.memory_space<semaphore_mem>>) src(%arg12 : memref<128x128xf32, #tpu.memory_space<vmem>>) dst(%dma_wait3A_30 : memref<10000x128xf32, #tpu.memory_space<vmem_shared>>)
    %add3A_31 = arith.constant 19968 : i32
    %add3A_32 = arith.addi %mul3A_13, %add3A_31 : i32
    "tpu.region"() ({
      %run_scoped3A = tpu.sem_alloc : memref<!tpu.dma_semaphore, #tpu.memory_space<semaphore_mem>>
      %dma_start3A_136 = arith.constant 0 : i32
      %dma_start3A_137 = tpu.memref_slice %arg6[%dma_start3A_136] : memref<256xi32, #tpu.memory_space<vmem>> -> memref<32xi32, #tpu.memory_space<vmem>>
      %dma_start3A_138 = tpu.memref_slice %arg3[%add3A_32] : memref<320000xi32, #tpu.memory_space<hbm>> -> memref<32xi32, #tpu.memory_space<hbm>>
      %dma_start3A_139 = arith.constant 0 : i32
      %dma_start3A_140 = tpu.memref_slice %arg6[%dma_start3A_139] : memref<256xi32, #tpu.memory_space<vmem>> -> memref<32xi32, #tpu.memory_space<vmem>>
      %dma_start3A_141 = tpu.memref_slice %arg3[%add3A_32] : memref<320000xi32, #tpu.memory_space<hbm>> -> memref<32xi32, #tpu.memory_space<hbm>>
      tpu.enqueue_dma source(%dma_start3A_141 : memref<32xi32, #tpu.memory_space<hbm>>) target(%dma_start3A_140 : memref<32xi32, #tpu.memory_space<vmem>>) target_semaphore(%run_scoped3A : memref<!tpu.dma_semaphore, #tpu.memory_space<semaphore_mem>>)
      %dma_wait3A_142 = arith.constant 0 : i32
      %dma_wait3A_143 = tpu.memref_slice %arg6[%dma_wait3A_142] : memref<256xi32, #tpu.memory_space<vmem>> -> memref<32xi32, #tpu.memory_space<vmem>>
      %dma_wait3A_144 = tpu.memref_slice %arg3[%add3A_32] : memref<320000xi32, #tpu.memory_space<hbm>> -> memref<32xi32, #tpu.memory_space<hbm>>
      %dma_wait3A_145 = arith.constant 0 : i32
      %dma_wait3A_146 = tpu.memref_slice %arg6[%dma_wait3A_145] : memref<256xi32, #tpu.memory_space<vmem>> -> memref<32xi32, #tpu.memory_space<vmem>>
      %dma_wait3A_147 = tpu.memref_slice %arg3[%add3A_32] : memref<320000xi32, #tpu.memory_space<hbm>> -> memref<32xi32, #tpu.memory_space<hbm>>
      tpu.wait_dma2 semaphore(%run_scoped3A : memref<!tpu.dma_semaphore, #tpu.memory_space<semaphore_mem>>) src(%dma_wait3A_147 : memref<32xi32, #tpu.memory_space<hbm>>) dst(%dma_wait3A_146 : memref<32xi32, #tpu.memory_space<vmem>>)
      tpu.yield
    }) : () -> ()
    %scan3A_33 = arith.constant 0 : i32
    %scan3A_34 = arith.constant 0 : i32
    %mul3A_35 = arith.constant 16 : i32
    %mul3A_36 = arith.muli %scan3A_34, %mul3A_35 : i32
    %get3A = arith.index_cast %mul3A_36 : i32 to index
    %get3A_37 = tpu.vector_load %arg6[%get3A] {strides = array<i32>} : memref<256xi32, #tpu.memory_space<vmem>>, vector<16xi32>,
    %get3A_38 = vector.shape_cast %get3A_37 : vector<16xi32> to vector<16xi32>
    %mul3A_39 = arith.constant 2 : i32
    %mul3A_40 = vector.broadcast %mul3A_39 : i32 to vector<16xi32>
    %mul3A_41 = arith.muli %get3A_38, %mul3A_40 : vector<16xi32>
    %broadcast_in_dim3A = arith.constant 1 : i32
    %broadcast_in_dim3A_42 = vector.broadcast %broadcast_in_dim3A : i32 to vector<16xi32>
    %mul3A_43 = vector.broadcast %arg0 : i32 to vector<16xi32>
    %mul3A_44 = arith.muli %mul3A_43, %broadcast_in_dim3A_42 : vector<16xi32>
    %add3A_45 = arith.addi %mul3A_41, %mul3A_44 : vector<16xi32>
    %mul3A_46 = arith.constant 16 : i32
    %mul3A_47 = arith.muli %scan3A_34, %mul3A_46 : i32
    %swap3A = arith.index_cast %mul3A_47 : i32 to index
    %swap3A_48 = tpu.vector_load %arg6[%swap3A] {strides = array<i32>} : memref<256xi32, #tpu.memory_space<vmem>>, vector<16xi32>,
    %swap3A_49 = vector.shape_cast %swap3A_48 : vector<16xi32> to vector<16xi32>
    %swap3A_50 = vector.shape_cast %add3A_45 : vector<16xi32> to vector<16xi32>
    tpu.vector_store %arg6[%swap3A], %swap3A_50 {strides = array<i32>} : memref<256xi32, #tpu.memory_space<vmem>>, vector<16xi32>,
    %scan3A_51 = arith.constant 1 : i32
    %get3A_52 = arith.constant 16 : index
    %get3A_53 = tpu.vector_load %arg6[%get3A_52] {strides = array<i32>} : memref<256xi32, #tpu.memory_space<vmem>>, vector<16xi32>,
    %get3A_54 = vector.shape_cast %get3A_53 : vector<16xi32> to vector<16xi32>
    %swap3A_55 = arith.constant 0 : index
    %swap3A_56 = tpu.vector_load %arg10[%swap3A_55] {strides = array<i32>} : memref<16xi32, #tpu.memory_space<vmem>>, vector<16xi32>,
    %swap3A_57 = vector.shape_cast %swap3A_56 : vector<16xi32> to vector<16xi32>
    %swap3A_58 = vector.shape_cast %get3A_54 : vector<16xi32> to vector<16xi32>
    tpu.vector_store %arg10[%swap3A_55], %swap3A_58 {strides = array<i32>} : memref<16xi32, #tpu.memory_space<vmem>>, vector<16xi32>,
    %dma_start3A_59 = arith.constant 0 : i32
    %dma_start3A_60 = arith.constant 0 : i32
    %dma_start3A_61 = tpu.memref_slice %arg11[%dma_start3A_59, %dma_start3A_60] : memref<128x128xf32, #tpu.memory_space<vmem>> -> memref<16x128xf32, #tpu.memory_space<vmem>>
    %dma_start3A_62 = arith.constant 0 : i32
    %dma_start3A_63 = tpu.memref_slice %arg6[%dma_start3A_62] : memref<256xi32, #tpu.memory_space<vmem>> -> memref<16xi32, #tpu.memory_space<vmem>>
    %dma_start3A_64 = arith.constant 0 : i32
    %dma_start3A_65 = arith.constant 0 : i32
    %dma_start3A_66 = tpu.memref_slice %arg2[%dma_start3A_64, %dma_start3A_65] : memref<20000x128xf32, #tpu.memory_space<hbm>> -> memref<20000x128xf32, #tpu.memory_space<hbm>>
    tpu.enqueue_indirect_dma source(%dma_start3A_66 : memref<20000x128xf32, #tpu.memory_space<hbm>>) target(%dma_start3A_61 : memref<16x128xf32, #tpu.memory_space<vmem>>) offsets(%dma_start3A_63 : memref<16xi32, #tpu.memory_space<vmem>>) semaphore(%arg14 : memref<!tpu.dma_semaphore, #tpu.memory_space<semaphore_mem>>)
    %dma_wait3A_67 = arith.constant 0 : i32
    %dma_wait3A_68 = arith.constant 0 : i32
    %dma_wait3A_69 = tpu.memref_slice %arg11[%dma_wait3A_67, %dma_wait3A_68] : memref<128x128xf32, #tpu.memory_space<vmem>> -> memref<16x128xf32, #tpu.memory_space<vmem>>
    %dma_wait3A_70 = arith.constant 0 : i32
    %dma_wait3A_71 = tpu.memref_slice %arg6[%dma_wait3A_70] : memref<256xi32, #tpu.memory_space<vmem>> -> memref<16xi32, #tpu.memory_space<vmem>>
    %dma_wait3A_72 = arith.constant 0 : i32
    %dma_wait3A_73 = arith.constant 0 : i32
    %dma_wait3A_74 = tpu.memref_slice %arg2[%dma_wait3A_72, %dma_wait3A_73] : memref<20000x128xf32, #tpu.memory_space<hbm>> -> memref<20000x128xf32, #tpu.memory_space<hbm>>
    tpu.wait_indirect_dma semaphore(%arg14 : memref<!tpu.dma_semaphore, #tpu.memory_space<semaphore_mem>>) src(%dma_wait3A_74 : memref<20000x128xf32, #tpu.memory_space<hbm>>) dst(%dma_wait3A_69 : memref<16x128xf32, #tpu.memory_space<vmem>>)
    "tpu.region"() ({
      %run_scoped3A = tpu.sem_alloc : memref<!tpu.dma_semaphore, #tpu.memory_space<semaphore_mem>>
      %dma_start3A_136 = arith.constant 0 : i32
      %dma_start3A_137 = arith.constant 0 : i32
      %dma_start3A_138 = tpu.memref_slice %arg11[%dma_start3A_136, %dma_start3A_137] : memref<128x128xf32, #tpu.memory_space<vmem>> -> memref<16x128xf32, #tpu.memory_space<vmem>>
      %dma_start3A_139 = arith.constant 0 : i32
      %dma_start3A_140 = arith.constant 0 : i32
      %dma_start3A_141 = tpu.memref_slice %arg13[%dma_start3A_139, %dma_start3A_140] : memref<10000x128xf32, #tpu.memory_space<vmem_shared>> -> memref<10000x128xf32, #tpu.memory_space<vmem_shared>>
      tpu.enqueue_indirect_dma source(%dma_start3A_138 : memref<16x128xf32, #tpu.memory_space<vmem>>) target(%dma_start3A_141 : memref<10000x128xf32, #tpu.memory_space<vmem_shared>>) offsets(%arg10 : memref<16xi32, #tpu.memory_space<vmem>>) semaphore(%run_scoped3A : memref<!tpu.dma_semaphore, #tpu.memory_space<semaphore_mem>>) {add = true}
      %dma_wait3A_142 = arith.constant 0 : i32
      %dma_wait3A_143 = arith.constant 0 : i32
      %dma_wait3A_144 = tpu.memref_slice %arg11[%dma_wait3A_142, %dma_wait3A_143] : memref<128x128xf32, #tpu.memory_space<vmem>> -> memref<16x128xf32, #tpu.memory_space<vmem>>
      %dma_wait3A_145 = arith.constant 0 : i32
      %dma_wait3A_146 = arith.constant 0 : i32
      %dma_wait3A_147 = tpu.memref_slice %arg13[%dma_wait3A_145, %dma_wait3A_146] : memref<10000x128xf32, #tpu.memory_space<vmem_shared>> -> memref<10000x128xf32, #tpu.memory_space<vmem_shared>>
      tpu.wait_indirect_dma semaphore(%run_scoped3A : memref<!tpu.dma_semaphore, #tpu.memory_space<semaphore_mem>>) src(%dma_wait3A_144 : memref<16x128xf32, #tpu.memory_space<vmem>>) dst(%dma_wait3A_147 : memref<10000x128xf32, #tpu.memory_space<vmem_shared>>)
      tpu.yield
    }) : () -> ()
    %barrier3A = arith.constant 0 : index
    tpu.barrier barrier_id(%barrier3A)
    %lt3A_75 = arith.constant 15 : i32
    %lt3A_76 = arith.cmpi slt, %arg1, %lt3A_75 : i32
    %convert_element_type3A_77 = arith.extui %lt3A_76 : i1 to i32
    %cond3A_78 = arith.constant 0 : i32
    %cond3A_79 = arith.cmpi ne, %convert_element_type3A_77, %cond3A_78 : i32
    scf.if %cond3A_79 {
      "tpu.region"() ({
        %run_scoped3A = tpu.sem_alloc : memref<!tpu.dma_semaphore, #tpu.memory_space<semaphore_mem>>
        %dma_start3A_136 = arith.constant 0 : i32
        %dma_start3A_137 = tpu.memref_slice %arg4[%arg0, %multiple_of3A, %dma_start3A_136] : memref<2x10000x128xf32, #tpu.memory_space<hbm>> -> memref<1x640x128xf32, #tpu.memory_space<hbm>>
        %dma_start3A_138 = tpu.memref_squeeze %dma_start3A_137 : memref<1x640x128xf32, #tpu.memory_space<hbm>> -> memref<640x128xf32, #tpu.memory_space<hbm>>
        %dma_start3A_139 = arith.constant 0 : i32
        %dma_start3A_140 = tpu.memref_slice %arg13[%multiple_of3A, %dma_start3A_139] : memref<10000x128xf32, #tpu.memory_space<vmem_shared>> -> memref<640x128xf32, #tpu.memory_space<vmem_shared>>
        tpu.enqueue_dma source(%dma_start3A_140 : memref<640x128xf32, #tpu.memory_space<vmem_shared>>) target(%dma_start3A_138 : memref<640x128xf32, #tpu.memory_space<hbm>>) target_semaphore(%run_scoped3A : memref<!tpu.dma_semaphore, #tpu.memory_space<semaphore_mem>>)
        %dma_wait3A_141 = arith.constant 0 : i32
        %dma_wait3A_142 = tpu.memref_slice %arg4[%arg0, %multiple_of3A, %dma_wait3A_141] : memref<2x10000x128xf32, #tpu.memory_space<hbm>> -> memref<1x640x128xf32, #tpu.memory_space<hbm>>
        %dma_wait3A_143 = tpu.memref_squeeze %dma_wait3A_142 : memref<1x640x128xf32, #tpu.memory_space<hbm>> -> memref<640x128xf32, #tpu.memory_space<hbm>>
        %dma_wait3A_144 = arith.constant 0 : i32
        %dma_wait3A_145 = tpu.memref_slice %arg13[%multiple_of3A, %dma_wait3A_144] : memref<10000x128xf32, #tpu.memory_space<vmem_shared>> -> memref<640x128xf32, #tpu.memory_space<vmem_shared>>
        tpu.wait_dma2 semaphore(%run_scoped3A : memref<!tpu.dma_semaphore, #tpu.memory_space<semaphore_mem>>) src(%dma_wait3A_145 : memref<640x128xf32, #tpu.memory_space<vmem_shared>>) dst(%dma_wait3A_143 : memref<640x128xf32, #tpu.memory_space<hbm>>)
        tpu.yield
      }) : () -> ()
    } else {
    }
    %eq3A_80 = arith.constant 15 : i32
    %eq3A_81 = arith.cmpi eq, %arg1, %eq3A_80 : i32
    %convert_element_type3A_82 = arith.extui %eq3A_81 : i1 to i32
    %cond3A_83 = arith.constant 0 : i32
    %cond3A_84 = arith.cmpi ne, %convert_element_type3A_82, %cond3A_83 : i32
    scf.if %cond3A_84 {
      "tpu.region"() ({
        %run_scoped3A = tpu.sem_alloc : memref<!tpu.dma_semaphore, #tpu.memory_space<semaphore_mem>>
        %dma_start3A_136 = arith.constant 9600 : i32
        %dma_start3A_137 = arith.constant 0 : i32
        %dma_start3A_138 = tpu.memref_slice %arg4[%arg0, %dma_start3A_136, %dma_start3A_137] : memref<2x10000x128xf32, #tpu.memory_space<hbm>> -> memref<1x400x128xf32, #tpu.memory_space<hbm>>
        %dma_start3A_139 = tpu.memref_squeeze %dma_start3A_138 : memref<1x400x128xf32, #tpu.memory_space<hbm>> -> memref<400x128xf32, #tpu.memory_space<hbm>>
        %dma_start3A_140 = arith.constant 9600 : i32
        %dma_start3A_141 = arith.constant 0 : i32
        %dma_start3A_142 = tpu.memref_slice %arg13[%dma_start3A_140, %dma_start3A_141] : memref<10000x128xf32, #tpu.memory_space<vmem_shared>> -> memref<400x128xf32, #tpu.memory_space<vmem_shared>>
        tpu.enqueue_dma source(%dma_start3A_142 : memref<400x128xf32, #tpu.memory_space<vmem_shared>>) target(%dma_start3A_139 : memref<400x128xf32, #tpu.memory_space<hbm>>) target_semaphore(%run_scoped3A : memref<!tpu.dma_semaphore, #tpu.memory_space<semaphore_mem>>)
        %dma_wait3A_143 = arith.constant 9600 : i32
        %dma_wait3A_144 = arith.constant 0 : i32
        %dma_wait3A_145 = tpu.memref_slice %arg4[%arg0, %dma_wait3A_143, %dma_wait3A_144] : memref<2x10000x128xf32, #tpu.memory_space<hbm>> -> memref<1x400x128xf32, #tpu.memory_space<hbm>>
        %dma_wait3A_146 = tpu.memref_squeeze %dma_wait3A_145 : memref<1x400x128xf32, #tpu.memory_space<hbm>> -> memref<400x128xf32, #tpu.memory_space<hbm>>
        %dma_wait3A_147 = arith.constant 9600 : i32
        %dma_wait3A_148 = arith.constant 0 : i32
        %dma_wait3A_149 = tpu.memref_slice %arg13[%dma_wait3A_147, %dma_wait3A_148] : memref<10000x128xf32, #tpu.memory_space<vmem_shared>> -> memref<400x128xf32, #tpu.memory_space<vmem_shared>>
        tpu.wait_dma2 semaphore(%run_scoped3A : memref<!tpu.dma_semaphore, #tpu.memory_space<semaphore_mem>>) src(%dma_wait3A_149 : memref<400x128xf32, #tpu.memory_space<vmem_shared>>) dst(%dma_wait3A_146 : memref<400x128xf32, #tpu.memory_space<hbm>>)
        tpu.yield
      }) : () -> ()
    } else {
    }
    %scan3A_85 = arith.constant 0 : i32
    %scan3A_86 = arith.constant 0 : i32
    %scan3A_87 = arith.constant 128 : i32
    %scan3A_88 = arith.addi %scan3A_86, %scan3A_87 : i32
    %scan3A_89 = arith.constant 1 : i32
    scf.for %scan3A_136 = %scan3A_86 to %scan3A_88 step %scan3A_89  : i32 {
      %scan3A_137 = arith.constant 0 : i32
      %scan3A_138 = arith.constant 8 : i32
      %scan3A_139 = arith.addi %scan3A_137, %scan3A_138 : i32
      %scan3A_140 = arith.constant 1 : i32
      scf.for %scan3A_142 = %scan3A_137 to %scan3A_139 step %scan3A_140  : i32 {
        %broadcast_in_dim3A_143 = arith.constant 0.000000e+00 : f32
        %broadcast_in_dim3A_144 = vector.broadcast %broadcast_in_dim3A_143 : f32 to vector<16xf32>
        %mul3A_145 = arith.constant 16 : i32
        %mul3A_146 = arith.muli %scan3A_142, %mul3A_145 : i32
        %swap3A_147 = arith.index_cast %scan3A_136 : i32 to index
        %swap3A_148 = arith.index_cast %mul3A_146 : i32 to index
        %swap3A_149 = tpu.vector_load %arg12[%swap3A_147, %swap3A_148] {strides = array<i32>} : memref<128x128xf32, #tpu.memory_space<vmem>>, vector<1x16xf32>,
        %swap3A_150 = vector.shape_cast %swap3A_149 : vector<1x16xf32> to vector<16xf32>
        %swap3A_151 = vector.shape_cast %broadcast_in_dim3A_144 : vector<16xf32> to vector<1x16xf32>
        tpu.vector_store %arg12[%swap3A_147, %swap3A_148], %swap3A_151 {strides = array<i32>} : memref<128x128xf32, #tpu.memory_space<vmem>>, vector<1x16xf32>,
      }
      %scan3A_141 = arith.constant 8 : i32
    }
    %scan3A_90 = arith.constant 128 : i32
    %lt3A_91 = arith.constant 15 : i32
    %lt3A_92 = arith.cmpi slt, %arg1, %lt3A_91 : i32
    %convert_element_type3A_93 = arith.extui %lt3A_92 : i1 to i32
    %cond3A_94 = arith.constant 0 : i32
    %cond3A_95 = arith.cmpi ne, %convert_element_type3A_93, %cond3A_94 : i32
    scf.if %cond3A_95 {
      %scan3A_136 = arith.constant 0 : i32
      %scan3A_137 = arith.constant 0 : i32
      %scan3A_138 = arith.constant 5 : i32
      %scan3A_139 = arith.addi %scan3A_137, %scan3A_138 : i32
      %scan3A_140 = arith.constant 1 : i32
      scf.for %scan3A_142 = %scan3A_137 to %scan3A_139 step %scan3A_140  : i32 {
        %mul3A_143 = arith.constant 128 : i32
        %mul3A_144 = arith.muli %scan3A_142, %mul3A_143 : i32
        %add3A_145 = arith.addi %multiple_of3A, %mul3A_144 : i32
        %multiple_of3A_146 = tpu.assume_multiple %add3A_145, 8 : i32
        "tpu.region"() ({
          %run_scoped3A = tpu.sem_alloc : memref<!tpu.dma_semaphore, #tpu.memory_space<semaphore_mem>>
          %dma_start3A_147 = arith.constant 0 : i32
          %dma_start3A_148 = tpu.memref_slice %arg13[%multiple_of3A_146, %dma_start3A_147] : memref<10000x128xf32, #tpu.memory_space<vmem_shared>> -> memref<128x128xf32, #tpu.memory_space<vmem_shared>>
          %dma_start3A_149 = arith.constant 0 : i32
          %dma_start3A_150 = tpu.memref_slice %arg13[%multiple_of3A_146, %dma_start3A_149] : memref<10000x128xf32, #tpu.memory_space<vmem_shared>> -> memref<128x128xf32, #tpu.memory_space<vmem_shared>>
          tpu.enqueue_dma source(%arg12 : memref<128x128xf32, #tpu.memory_space<vmem>>) target(%dma_start3A_150 : memref<128x128xf32, #tpu.memory_space<vmem_shared>>) target_semaphore(%run_scoped3A : memref<!tpu.dma_semaphore, #tpu.memory_space<semaphore_mem>>)
          %dma_wait3A_151 = arith.constant 0 : i32
          %dma_wait3A_152 = tpu.memref_slice %arg13[%multiple_of3A_146, %dma_wait3A_151] : memref<10000x128xf32, #tpu.memory_space<vmem_shared>> -> memref<128x128xf32, #tpu.memory_space<vmem_shared>>
          %dma_wait3A_153 = arith.constant 0 : i32
          %dma_wait3A_154 = tpu.memref_slice %arg13[%multiple_of3A_146, %dma_wait3A_153] : memref<10000x128xf32, #tpu.memory_space<vmem_shared>> -> memref<128x128xf32, #tpu.memory_space<vmem_shared>>
          tpu.wait_dma2 semaphore(%run_scoped3A : memref<!tpu.dma_semaphore, #tpu.memory_space<semaphore_mem>>) src(%arg12 : memref<128x128xf32, #tpu.memory_space<vmem>>) dst(%dma_wait3A_154 : memref<128x128xf32, #tpu.memory_space<vmem_shared>>)
          tpu.yield
        }) : () -> ()
      }
      %scan3A_141 = arith.constant 5 : i32
    } else {
    }
    %eq3A_96 = arith.constant 15 : i32
    %eq3A_97 = arith.cmpi eq, %arg1, %eq3A_96 : i32
    %convert_element_type3A_98 = arith.extui %eq3A_97 : i1 to i32
    %cond3A_99 = arith.constant 0 : i32
    %cond3A_100 = arith.cmpi ne, %convert_element_type3A_98, %cond3A_99 : i32
    scf.if %cond3A_100 {
      %scan3A_136 = arith.constant 0 : i32
      %scan3A_137 = arith.constant 0 : i32
      %scan3A_138 = arith.constant 3 : i32
      %scan3A_139 = arith.addi %scan3A_137, %scan3A_138 : i32
      %scan3A_140 = arith.constant 1 : i32
      scf.for %scan3A_142 = %scan3A_137 to %scan3A_139 step %scan3A_140  : i32 {
        %mul3A_143 = arith.constant 128 : i32
        %mul3A_144 = arith.muli %scan3A_142, %mul3A_143 : i32
        %add3A_145 = arith.constant 9600 : i32
        %add3A_146 = arith.addi %add3A_145, %mul3A_144 : i32
        %multiple_of3A_147 = tpu.assume_multiple %add3A_146, 8 : i32
        "tpu.region"() ({
          %run_scoped3A = tpu.sem_alloc : memref<!tpu.dma_semaphore, #tpu.memory_space<semaphore_mem>>
          %dma_start3A_148 = arith.constant 0 : i32
          %dma_start3A_149 = tpu.memref_slice %arg13[%multiple_of3A_147, %dma_start3A_148] : memref<10000x128xf32, #tpu.memory_space<vmem_shared>> -> memref<128x128xf32, #tpu.memory_space<vmem_shared>>
          %dma_start3A_150 = arith.constant 0 : i32
          %dma_start3A_151 = tpu.memref_slice %arg13[%multiple_of3A_147, %dma_start3A_150] : memref<10000x128xf32, #tpu.memory_space<vmem_shared>> -> memref<128x128xf32, #tpu.memory_space<vmem_shared>>
          tpu.enqueue_dma source(%arg12 : memref<128x128xf32, #tpu.memory_space<vmem>>) target(%dma_start3A_151 : memref<128x128xf32, #tpu.memory_space<vmem_shared>>) target_semaphore(%run_scoped3A : memref<!tpu.dma_semaphore, #tpu.memory_space<semaphore_mem>>)
          %dma_wait3A_152 = arith.constant 0 : i32
          %dma_wait3A_153 = tpu.memref_slice %arg13[%multiple_of3A_147, %dma_wait3A_152] : memref<10000x128xf32, #tpu.memory_space<vmem_shared>> -> memref<128x128xf32, #tpu.memory_space<vmem_shared>>
          %dma_wait3A_154 = arith.constant 0 : i32
          %dma_wait3A_155 = tpu.memref_slice %arg13[%multiple_of3A_147, %dma_wait3A_154] : memref<10000x128xf32, #tpu.memory_space<vmem_shared>> -> memref<128x128xf32, #tpu.memory_space<vmem_shared>>
          tpu.wait_dma2 semaphore(%run_scoped3A : memref<!tpu.dma_semaphore, #tpu.memory_space<semaphore_mem>>) src(%arg12 : memref<128x128xf32, #tpu.memory_space<vmem>>) dst(%dma_wait3A_155 : memref<128x128xf32, #tpu.memory_space<vmem_shared>>)
          tpu.yield
        }) : () -> ()
      }
      %scan3A_141 = arith.constant 3 : i32
      "tpu.region"() ({
        %run_scoped3A = tpu.sem_alloc : memref<!tpu.dma_semaphore, #tpu.memory_space<semaphore_mem>>
        %dma_start3A_142 = arith.constant 0 : i32
        %dma_start3A_143 = arith.constant 0 : i32
        %dma_start3A_144 = tpu.memref_slice %arg12[%dma_start3A_142, %dma_start3A_143] : memref<128x128xf32, #tpu.memory_space<vmem>> -> memref<16x128xf32, #tpu.memory_space<vmem>>
        %dma_start3A_145 = arith.constant 9984 : i32
        %dma_start3A_146 = arith.constant 0 : i32
        %dma_start3A_147 = tpu.memref_slice %arg13[%dma_start3A_145, %dma_start3A_146] : memref<10000x128xf32, #tpu.memory_space<vmem_shared>> -> memref<16x128xf32, #tpu.memory_space<vmem_shared>>
        %dma_start3A_148 = arith.constant 9984 : i32
        %dma_start3A_149 = arith.constant 0 : i32
        %dma_start3A_150 = tpu.memref_slice %arg13[%dma_start3A_148, %dma_start3A_149] : memref<10000x128xf32, #tpu.memory_space<vmem_shared>> -> memref<16x128xf32, #tpu.memory_space<vmem_shared>>
        %dma_start3A_151 = arith.constant 0 : i32
        %dma_start3A_152 = arith.constant 0 : i32
        %dma_start3A_153 = tpu.memref_slice %arg12[%dma_start3A_151, %dma_start3A_152] : memref<128x128xf32, #tpu.memory_space<vmem>> -> memref<16x128xf32, #tpu.memory_space<vmem>>
        tpu.enqueue_dma source(%dma_start3A_153 : memref<16x128xf32, #tpu.memory_space<vmem>>) target(%dma_start3A_150 : memref<16x128xf32, #tpu.memory_space<vmem_shared>>) target_semaphore(%run_scoped3A : memref<!tpu.dma_semaphore, #tpu.memory_space<semaphore_mem>>)
        %dma_wait3A_154 = arith.constant 0 : i32
        %dma_wait3A_155 = arith.constant 0 : i32
        %dma_wait3A_156 = tpu.memref_slice %arg12[%dma_wait3A_154, %dma_wait3A_155] : memref<128x128xf32, #tpu.memory_space<vmem>> -> memref<16x128xf32, #tpu.memory_space<vmem>>
        %dma_wait3A_157 = arith.constant 9984 : i32
        %dma_wait3A_158 = arith.constant 0 : i32
        %dma_wait3A_159 = tpu.memref_slice %arg13[%dma_wait3A_157, %dma_wait3A_158] : memref<10000x128xf32, #tpu.memory_space<vmem_shared>> -> memref<16x128xf32, #tpu.memory_space<vmem_shared>>
        %dma_wait3A_160 = arith.constant 9984 : i32
        %dma_wait3A_161 = arith.constant 0 : i32
        %dma_wait3A_162 = tpu.memref_slice %arg13[%dma_wait3A_160, %dma_wait3A_161] : memref<10000x128xf32, #tpu.memory_space<vmem_shared>> -> memref<16x128xf32, #tpu.memory_space<vmem_shared>>
        %dma_wait3A_163 = arith.constant 0 : i32
        %dma_wait3A_164 = arith.constant 0 : i32
        %dma_wait3A_165 = tpu.memref_slice %arg12[%dma_wait3A_163, %dma_wait3A_164] : memref<128x128xf32, #tpu.memory_space<vmem>> -> memref<16x128xf32, #tpu.memory_space<vmem>>
        tpu.wait_dma2 semaphore(%run_scoped3A : memref<!tpu.dma_semaphore, #tpu.memory_space<semaphore_mem>>) src(%dma_wait3A_165 : memref<16x128xf32, #tpu.memory_space<vmem>>) dst(%dma_wait3A_162 : memref<16x128xf32, #tpu.memory_space<vmem_shared>>)
        tpu.yield
      }) : () -> ()
    } else {
    }
    %scan3A_101 = arith.constant 0 : i32
    %scan3A_102 = arith.constant 0 : i32
    %scan3A_103 = arith.constant 128 : i32
    %scan3A_104 = arith.addi %scan3A_102, %scan3A_103 : i32
    %scan3A_105 = arith.constant 1 : i32
    scf.for %scan3A_136 = %scan3A_102 to %scan3A_104 step %scan3A_105  : i32 {
      %scan3A_137 = arith.constant 0 : i32
      %scan3A_138 = arith.constant 8 : i32
      %scan3A_139 = arith.addi %scan3A_137, %scan3A_138 : i32
      %scan3A_140 = arith.constant 1 : i32
      scf.for %scan3A_142 = %scan3A_137 to %scan3A_139 step %scan3A_140  : i32 {
        %broadcast_in_dim3A_143 = arith.constant 1.000000e+00 : f32
        %broadcast_in_dim3A_144 = vector.broadcast %broadcast_in_dim3A_143 : f32 to vector<16xf32>
        %mul3A_145 = arith.constant 16 : i32
        %mul3A_146 = arith.muli %scan3A_142, %mul3A_145 : i32
        %swap3A_147 = arith.index_cast %scan3A_136 : i32 to index
        %swap3A_148 = arith.index_cast %mul3A_146 : i32 to index
        %swap3A_149 = tpu.vector_load %arg11[%swap3A_147, %swap3A_148] {strides = array<i32>} : memref<128x128xf32, #tpu.memory_space<vmem>>, vector<1x16xf32>,
        %swap3A_150 = vector.shape_cast %swap3A_149 : vector<1x16xf32> to vector<16xf32>
        %swap3A_151 = vector.shape_cast %broadcast_in_dim3A_144 : vector<16xf32> to vector<1x16xf32>
        tpu.vector_store %arg11[%swap3A_147, %swap3A_148], %swap3A_151 {strides = array<i32>} : memref<128x128xf32, #tpu.memory_space<vmem>>, vector<1x16xf32>,
      }
      %scan3A_141 = arith.constant 8 : i32
    }
    %scan3A_106 = arith.constant 128 : i32
    %barrier3A_107 = arith.constant 0 : index
    tpu.barrier barrier_id(%barrier3A_107)
    %scan3A_108 = arith.constant 0 : i32
    %scan3A_109 = arith.constant 0 : i32
    %scan3A_110 = arith.constant 20 : i32
    %scan3A_111 = arith.addi %scan3A_109, %scan3A_110 : i32
    %scan3A_112 = arith.constant 1 : i32
    scf.for %scan3A_136 = %scan3A_109 to %scan3A_111 step %scan3A_112  : i32 {
      %mul3A_137 = arith.constant 2 : i32
      %mul3A_138 = arith.muli %mul3A_137, %scan3A_136 : i32
      %gt3A = arith.constant 0 : i32
      %gt3A_139 = arith.cmpi sgt, %scan3A_136, %gt3A : i32
      %convert_element_type3A_140 = arith.extui %gt3A_139 : i1 to i32
      %cond3A_141 = arith.constant 0 : i32
      %cond3A_142 = arith.cmpi ne, %convert_element_type3A_140, %cond3A_141 : i32
      scf.if %cond3A_142 {
        %dma_wait3A_163 = arith.constant 0 : i32
        %dma_wait3A_164 = arith.constant 0 : i32
        %dma_wait3A_165 = tpu.memref_slice %arg13[%dma_wait3A_163, %dma_wait3A_164] : memref<10000x128xf32, #tpu.memory_space<vmem_shared>> -> memref<10000x128xf32, #tpu.memory_space<vmem_shared>>
        tpu.wait_indirect_dma semaphore(%arg18 : memref<!tpu.dma_semaphore, #tpu.memory_space<semaphore_mem>>) src(%arg11 : memref<128x128xf32, #tpu.memory_space<vmem>>) dst(%dma_wait3A_165 : memref<10000x128xf32, #tpu.memory_space<vmem_shared>>)
      } else {
      }
      %mul3A_143 = arith.constant 39 : i32
      %mul3A_144 = arith.muli %mul3A_143, %arg0 : i32
      %add3A_145 = arith.addi %mul3A_138, %mul3A_144 : i32
      %mul3A_146 = arith.constant 256 : i32
      %mul3A_147 = arith.muli %add3A_145, %mul3A_146 : i32
      %add3A_148 = arith.addi %mul3A_13, %mul3A_147 : i32
      %add3A_149 = arith.constant 128 : i32
      %add3A_150 = arith.addi %add3A_148, %add3A_149 : i32
      "tpu.region"() ({
        %run_scoped3A = tpu.sem_alloc : memref<!tpu.dma_semaphore, #tpu.memory_space<semaphore_mem>>
        %dma_start3A_163 = tpu.memref_slice %arg3[%add3A_150] : memref<320000xi32, #tpu.memory_space<hbm>> -> memref<128xi32, #tpu.memory_space<hbm>>
        %dma_start3A_164 = tpu.memref_slice %arg3[%add3A_150] : memref<320000xi32, #tpu.memory_space<hbm>> -> memref<128xi32, #tpu.memory_space<hbm>>
        tpu.enqueue_dma source(%dma_start3A_164 : memref<128xi32, #tpu.memory_space<hbm>>) target(%arg8 : memref<128xi32, #tpu.memory_space<vmem>>) target_semaphore(%run_scoped3A : memref<!tpu.dma_semaphore, #tpu.memory_space<semaphore_mem>>)
        %dma_wait3A_165 = tpu.memref_slice %arg3[%add3A_150] : memref<320000xi32, #tpu.memory_space<hbm>> -> memref<128xi32, #tpu.memory_space<hbm>>
        %dma_wait3A_166 = tpu.memref_slice %arg3[%add3A_150] : memref<320000xi32, #tpu.memory_space<hbm>> -> memref<128xi32, #tpu.memory_space<hbm>>
        tpu.wait_dma2 semaphore(%run_scoped3A : memref<!tpu.dma_semaphore, #tpu.memory_space<semaphore_mem>>) src(%dma_wait3A_166 : memref<128xi32, #tpu.memory_space<hbm>>) dst(%arg8 : memref<128xi32, #tpu.memory_space<vmem>>)
        tpu.yield
      }) : () -> ()
      %dma_start3A_151 = arith.constant 0 : i32
      %dma_start3A_152 = arith.constant 0 : i32
      %dma_start3A_153 = tpu.memref_slice %arg13[%dma_start3A_151, %dma_start3A_152] : memref<10000x128xf32, #tpu.memory_space<vmem_shared>> -> memref<10000x128xf32, #tpu.memory_space<vmem_shared>>
      tpu.enqueue_indirect_dma source(%arg11 : memref<128x128xf32, #tpu.memory_space<vmem>>) target(%dma_start3A_153 : memref<10000x128xf32, #tpu.memory_space<vmem_shared>>) offsets(%arg8 : memref<128xi32, #tpu.memory_space<vmem>>) semaphore(%arg18 : memref<!tpu.dma_semaphore, #tpu.memory_space<semaphore_mem>>) {add = true}
      %mul3A_154 = arith.constant 2 : i32
      %mul3A_155 = arith.muli %mul3A_154, %scan3A_136 : i32
      %add3A_156 = arith.constant 1 : i32
      %add3A_157 = arith.addi %mul3A_155, %add3A_156 : i32
      %lt3A_158 = arith.constant 39 : i32
      %lt3A_159 = arith.cmpi slt, %add3A_157, %lt3A_158 : i32
      %convert_element_type3A_160 = arith.extui %lt3A_159 : i1 to i32
      %cond3A_161 = arith.constant 0 : i32
      %cond3A_162 = arith.cmpi ne, %convert_element_type3A_160, %cond3A_161 : i32
      scf.if %cond3A_162 {
        %mul3A_163 = arith.constant 2 : i32
        %mul3A_164 = arith.muli %mul3A_163, %scan3A_136 : i32
        %add3A_165 = arith.constant 1 : i32
        %add3A_166 = arith.addi %mul3A_164, %add3A_165 : i32
        %gt3A_167 = arith.constant 0 : i32
        %gt3A_168 = arith.cmpi sgt, %scan3A_136, %gt3A_167 : i32
        %convert_element_type3A_169 = arith.extui %gt3A_168 : i1 to i32
        %cond3A_170 = arith.constant 0 : i32
        %cond3A_171 = arith.cmpi ne, %convert_element_type3A_169, %cond3A_170 : i32
        scf.if %cond3A_171 {
          %dma_wait3A_183 = arith.constant 0 : i32
          %dma_wait3A_184 = arith.constant 0 : i32
          %dma_wait3A_185 = tpu.memref_slice %arg13[%dma_wait3A_183, %dma_wait3A_184] : memref<10000x128xf32, #tpu.memory_space<vmem_shared>> -> memref<10000x128xf32, #tpu.memory_space<vmem_shared>>
          tpu.wait_indirect_dma semaphore(%arg19 : memref<!tpu.dma_semaphore, #tpu.memory_space<semaphore_mem>>) src(%arg11 : memref<128x128xf32, #tpu.memory_space<vmem>>) dst(%dma_wait3A_185 : memref<10000x128xf32, #tpu.memory_space<vmem_shared>>)
        } else {
        }
        %mul3A_172 = arith.constant 39 : i32
        %mul3A_173 = arith.muli %mul3A_172, %arg0 : i32
        %add3A_174 = arith.addi %add3A_166, %mul3A_173 : i32
        %mul3A_175 = arith.constant 256 : i32
        %mul3A_176 = arith.muli %add3A_174, %mul3A_175 : i32
        %add3A_177 = arith.addi %mul3A_13, %mul3A_176 : i32
        %add3A_178 = arith.constant 128 : i32
        %add3A_179 = arith.addi %add3A_177, %add3A_178 : i32
        "tpu.region"() ({
          %run_scoped3A = tpu.sem_alloc : memref<!tpu.dma_semaphore, #tpu.memory_space<semaphore_mem>>
          %dma_start3A_183 = tpu.memref_slice %arg3[%add3A_179] : memref<320000xi32, #tpu.memory_space<hbm>> -> memref<128xi32, #tpu.memory_space<hbm>>
          %dma_start3A_184 = tpu.memref_slice %arg3[%add3A_179] : memref<320000xi32, #tpu.memory_space<hbm>> -> memref<128xi32, #tpu.memory_space<hbm>>
          tpu.enqueue_dma source(%dma_start3A_184 : memref<128xi32, #tpu.memory_space<hbm>>) target(%arg9 : memref<128xi32, #tpu.memory_space<vmem>>) target_semaphore(%run_scoped3A : memref<!tpu.dma_semaphore, #tpu.memory_space<semaphore_mem>>)
          %dma_wait3A_185 = tpu.memref_slice %arg3[%add3A_179] : memref<320000xi32, #tpu.memory_space<hbm>> -> memref<128xi32, #tpu.memory_space<hbm>>
          %dma_wait3A_186 = tpu.memref_slice %arg3[%add3A_179] : memref<320000xi32, #tpu.memory_space<hbm>> -> memref<128xi32, #tpu.memory_space<hbm>>
          tpu.wait_dma2 semaphore(%run_scoped3A : memref<!tpu.dma_semaphore, #tpu.memory_space<semaphore_mem>>) src(%dma_wait3A_186 : memref<128xi32, #tpu.memory_space<hbm>>) dst(%arg9 : memref<128xi32, #tpu.memory_space<vmem>>)
          tpu.yield
        }) : () -> ()
        %dma_start3A_180 = arith.constant 0 : i32
        %dma_start3A_181 = arith.constant 0 : i32
        %dma_start3A_182 = tpu.memref_slice %arg13[%dma_start3A_180, %dma_start3A_181] : memref<10000x128xf32, #tpu.memory_space<vmem_shared>> -> memref<10000x128xf32, #tpu.memory_space<vmem_shared>>
        tpu.enqueue_indirect_dma source(%arg11 : memref<128x128xf32, #tpu.memory_space<vmem>>) target(%dma_start3A_182 : memref<10000x128xf32, #tpu.memory_space<vmem_shared>>) offsets(%arg9 : memref<128xi32, #tpu.memory_space<vmem>>) semaphore(%arg19 : memref<!tpu.dma_semaphore, #tpu.memory_space<semaphore_mem>>) {add = true}
      } else {
      }
    }
    %scan3A_113 = arith.constant 20 : i32
    %dma_wait3A_114 = arith.constant 0 : i32
    %dma_wait3A_115 = arith.constant 0 : i32
    %dma_wait3A_116 = tpu.memref_slice %arg13[%dma_wait3A_114, %dma_wait3A_115] : memref<10000x128xf32, #tpu.memory_space<vmem_shared>> -> memref<10000x128xf32, #tpu.memory_space<vmem_shared>>
    tpu.wait_indirect_dma semaphore(%arg18 : memref<!tpu.dma_semaphore, #tpu.memory_space<semaphore_mem>>) src(%arg11 : memref<128x128xf32, #tpu.memory_space<vmem>>) dst(%dma_wait3A_116 : memref<10000x128xf32, #tpu.memory_space<vmem_shared>>)
    %dma_wait3A_117 = arith.constant 0 : i32
    %dma_wait3A_118 = arith.constant 0 : i32
    %dma_wait3A_119 = tpu.memref_slice %arg13[%dma_wait3A_117, %dma_wait3A_118] : memref<10000x128xf32, #tpu.memory_space<vmem_shared>> -> memref<10000x128xf32, #tpu.memory_space<vmem_shared>>
    tpu.wait_indirect_dma semaphore(%arg19 : memref<!tpu.dma_semaphore, #tpu.memory_space<semaphore_mem>>) src(%arg11 : memref<128x128xf32, #tpu.memory_space<vmem>>) dst(%dma_wait3A_119 : memref<10000x128xf32, #tpu.memory_space<vmem_shared>>)
    %eq3A_120 = arith.constant 0 : i32
    %eq3A_121 = arith.cmpi eq, %arg0, %eq3A_120 : i32
    %convert_element_type3A_122 = arith.extui %eq3A_121 : i1 to i32
    %cond3A_123 = arith.constant 0 : i32
    %cond3A_124 = arith.cmpi ne, %convert_element_type3A_122, %cond3A_123 : i32
    scf.if %cond3A_124 {
      %add3A_136 = arith.constant 16 : i32
      %add3A_137 = arith.addi %add3A_32, %add3A_136 : i32
      "tpu.region"() ({
        %run_scoped3A = tpu.sem_alloc : memref<!tpu.dma_semaphore, #tpu.memory_space<semaphore_mem>>
        %dma_start3A_138 = tpu.memref_slice %arg3[%add3A_137] : memref<320000xi32, #tpu.memory_space<hbm>> -> memref<16xi32, #tpu.memory_space<hbm>>
        %dma_start3A_139 = tpu.memref_slice %arg3[%add3A_137] : memref<320000xi32, #tpu.memory_space<hbm>> -> memref<16xi32, #tpu.memory_space<hbm>>
        tpu.enqueue_dma source(%dma_start3A_139 : memref<16xi32, #tpu.memory_space<hbm>>) target(%arg10 : memref<16xi32, #tpu.memory_space<vmem>>) target_semaphore(%run_scoped3A : memref<!tpu.dma_semaphore, #tpu.memory_space<semaphore_mem>>)
        %dma_wait3A_140 = tpu.memref_slice %arg3[%add3A_137] : memref<320000xi32, #tpu.memory_space<hbm>> -> memref<16xi32, #tpu.memory_space<hbm>>
        %dma_wait3A_141 = tpu.memref_slice %arg3[%add3A_137] : memref<320000xi32, #tpu.memory_space<hbm>> -> memref<16xi32, #tpu.memory_space<hbm>>
        tpu.wait_dma2 semaphore(%run_scoped3A : memref<!tpu.dma_semaphore, #tpu.memory_space<semaphore_mem>>) src(%dma_wait3A_141 : memref<16xi32, #tpu.memory_space<hbm>>) dst(%arg10 : memref<16xi32, #tpu.memory_space<vmem>>)
        tpu.yield
      }) : () -> ()
      "tpu.region"() ({
        %run_scoped3A = tpu.sem_alloc : memref<!tpu.dma_semaphore, #tpu.memory_space<semaphore_mem>>
        %dma_start3A_138 = arith.constant 0 : i32
        %dma_start3A_139 = arith.constant 0 : i32
        %dma_start3A_140 = tpu.memref_slice %arg11[%dma_start3A_138, %dma_start3A_139] : memref<128x128xf32, #tpu.memory_space<vmem>> -> memref<16x128xf32, #tpu.memory_space<vmem>>
        %dma_start3A_141 = arith.constant 0 : i32
        %dma_start3A_142 = arith.constant 0 : i32
        %dma_start3A_143 = tpu.memref_slice %arg13[%dma_start3A_141, %dma_start3A_142] : memref<10000x128xf32, #tpu.memory_space<vmem_shared>> -> memref<10000x128xf32, #tpu.memory_space<vmem_shared>>
        tpu.enqueue_indirect_dma source(%dma_start3A_140 : memref<16x128xf32, #tpu.memory_space<vmem>>) target(%dma_start3A_143 : memref<10000x128xf32, #tpu.memory_space<vmem_shared>>) offsets(%arg10 : memref<16xi32, #tpu.memory_space<vmem>>) semaphore(%run_scoped3A : memref<!tpu.dma_semaphore, #tpu.memory_space<semaphore_mem>>) {add = true}
        %dma_wait3A_144 = arith.constant 0 : i32
        %dma_wait3A_145 = arith.constant 0 : i32
        %dma_wait3A_146 = tpu.memref_slice %arg11[%dma_wait3A_144, %dma_wait3A_145] : memref<128x128xf32, #tpu.memory_space<vmem>> -> memref<16x128xf32, #tpu.memory_space<vmem>>
        %dma_wait3A_147 = arith.constant 0 : i32
        %dma_wait3A_148 = arith.constant 0 : i32
        %dma_wait3A_149 = tpu.memref_slice %arg13[%dma_wait3A_147, %dma_wait3A_148] : memref<10000x128xf32, #tpu.memory_space<vmem_shared>> -> memref<10000x128xf32, #tpu.memory_space<vmem_shared>>
        tpu.wait_indirect_dma semaphore(%run_scoped3A : memref<!tpu.dma_semaphore, #tpu.memory_space<semaphore_mem>>) src(%dma_wait3A_146 : memref<16x128xf32, #tpu.memory_space<vmem>>) dst(%dma_wait3A_149 : memref<10000x128xf32, #tpu.memory_space<vmem_shared>>)
        tpu.yield
      }) : () -> ()
    } else {
    }
    %barrier3A_125 = arith.constant 0 : index
    tpu.barrier barrier_id(%barrier3A_125)
    %lt3A_126 = arith.constant 15 : i32
    %lt3A_127 = arith.cmpi slt, %arg1, %lt3A_126 : i32
    %convert_element_type3A_128 = arith.extui %lt3A_127 : i1 to i32
    %cond3A_129 = arith.constant 0 : i32
    %cond3A_130 = arith.cmpi ne, %convert_element_type3A_128, %cond3A_129 : i32
    scf.if %cond3A_130 {
      "tpu.region"() ({
        %run_scoped3A = tpu.sem_alloc : memref<!tpu.dma_semaphore, #tpu.memory_space<semaphore_mem>>
        %dma_start3A_136 = arith.constant 0 : i32
        %dma_start3A_137 = tpu.memref_slice %arg5[%arg0, %multiple_of3A, %dma_start3A_136] : memref<2x10000x128xf32, #tpu.memory_space<hbm>> -> memref<1x640x128xf32, #tpu.memory_space<hbm>>
        %dma_start3A_138 = tpu.memref_squeeze %dma_start3A_137 : memref<1x640x128xf32, #tpu.memory_space<hbm>> -> memref<640x128xf32, #tpu.memory_space<hbm>>
        %dma_start3A_139 = arith.constant 0 : i32
        %dma_start3A_140 = tpu.memref_slice %arg13[%multiple_of3A, %dma_start3A_139] : memref<10000x128xf32, #tpu.memory_space<vmem_shared>> -> memref<640x128xf32, #tpu.memory_space<vmem_shared>>
        tpu.enqueue_dma source(%dma_start3A_140 : memref<640x128xf32, #tpu.memory_space<vmem_shared>>) target(%dma_start3A_138 : memref<640x128xf32, #tpu.memory_space<hbm>>) target_semaphore(%run_scoped3A : memref<!tpu.dma_semaphore, #tpu.memory_space<semaphore_mem>>)
        %dma_wait3A_141 = arith.constant 0 : i32
        %dma_wait3A_142 = tpu.memref_slice %arg5[%arg0, %multiple_of3A, %dma_wait3A_141] : memref<2x10000x128xf32, #tpu.memory_space<hbm>> -> memref<1x640x128xf32, #tpu.memory_space<hbm>>
        %dma_wait3A_143 = tpu.memref_squeeze %dma_wait3A_142 : memref<1x640x128xf32, #tpu.memory_space<hbm>> -> memref<640x128xf32, #tpu.memory_space<hbm>>
        %dma_wait3A_144 = arith.constant 0 : i32
        %dma_wait3A_145 = tpu.memref_slice %arg13[%multiple_of3A, %dma_wait3A_144] : memref<10000x128xf32, #tpu.memory_space<vmem_shared>> -> memref<640x128xf32, #tpu.memory_space<vmem_shared>>
        tpu.wait_dma2 semaphore(%run_scoped3A : memref<!tpu.dma_semaphore, #tpu.memory_space<semaphore_mem>>) src(%dma_wait3A_145 : memref<640x128xf32, #tpu.memory_space<vmem_shared>>) dst(%dma_wait3A_143 : memref<640x128xf32, #tpu.memory_space<hbm>>)
        tpu.yield
      }) : () -> ()
    } else {
    }
    %eq3A_131 = arith.constant 15 : i32
    %eq3A_132 = arith.cmpi eq, %arg1, %eq3A_131 : i32
    %convert_element_type3A_133 = arith.extui %eq3A_132 : i1 to i32
    %cond3A_134 = arith.constant 0 : i32
    %cond3A_135 = arith.cmpi ne, %convert_element_type3A_133, %cond3A_134 : i32
    scf.if %cond3A_135 {
      "tpu.region"() ({
        %run_scoped3A = tpu.sem_alloc : memref<!tpu.dma_semaphore, #tpu.memory_space<semaphore_mem>>
        %dma_start3A_136 = arith.constant 9600 : i32
        %dma_start3A_137 = arith.constant 0 : i32
        %dma_start3A_138 = tpu.memref_slice %arg5[%arg0, %dma_start3A_136, %dma_start3A_137] : memref<2x10000x128xf32, #tpu.memory_space<hbm>> -> memref<1x400x128xf32, #tpu.memory_space<hbm>>
        %dma_start3A_139 = tpu.memref_squeeze %dma_start3A_138 : memref<1x400x128xf32, #tpu.memory_space<hbm>> -> memref<400x128xf32, #tpu.memory_space<hbm>>
        %dma_start3A_140 = arith.constant 9600 : i32
        %dma_start3A_141 = arith.constant 0 : i32
        %dma_start3A_142 = tpu.memref_slice %arg13[%dma_start3A_140, %dma_start3A_141] : memref<10000x128xf32, #tpu.memory_space<vmem_shared>> -> memref<400x128xf32, #tpu.memory_space<vmem_shared>>
        tpu.enqueue_dma source(%dma_start3A_142 : memref<400x128xf32, #tpu.memory_space<vmem_shared>>) target(%dma_start3A_139 : memref<400x128xf32, #tpu.memory_space<hbm>>) target_semaphore(%run_scoped3A : memref<!tpu.dma_semaphore, #tpu.memory_space<semaphore_mem>>)
        %dma_wait3A_143 = arith.constant 9600 : i32
        %dma_wait3A_144 = arith.constant 0 : i32
        %dma_wait3A_145 = tpu.memref_slice %arg5[%arg0, %dma_wait3A_143, %dma_wait3A_144] : memref<2x10000x128xf32, #tpu.memory_space<hbm>> -> memref<1x400x128xf32, #tpu.memory_space<hbm>>
        %dma_wait3A_146 = tpu.memref_squeeze %dma_wait3A_145 : memref<1x400x128xf32, #tpu.memory_space<hbm>> -> memref<400x128xf32, #tpu.memory_space<hbm>>
        %dma_wait3A_147 = arith.constant 9600 : i32
        %dma_wait3A_148 = arith.constant 0 : i32
        %dma_wait3A_149 = tpu.memref_slice %arg13[%dma_wait3A_147, %dma_wait3A_148] : memref<10000x128xf32, #tpu.memory_space<vmem_shared>> -> memref<400x128xf32, #tpu.memory_space<vmem_shared>>
        tpu.wait_dma2 semaphore(%run_scoped3A : memref<!tpu.dma_semaphore, #tpu.memory_space<semaphore_mem>>) src(%dma_wait3A_149 : memref<400x128xf32, #tpu.memory_space<vmem_shared>>) dst(%dma_wait3A_146 : memref<400x128xf32, #tpu.memory_space<hbm>>)
        tpu.yield
      }) : () -> ()
    } else {
    }
    return
  }
}

module attributes {stable_mosaic.version = 14 : i64} {
  func.func @_seq_body(%arg0: memref<1024x256xf32, #tpu.memory_space<vmem>>, %arg1: memref<1x256xf32, #tpu.memory_space<vmem>>, %arg2: memref<1x256xf32, #tpu.memory_space<vmem>>, %arg3: memref<256x256xf32, #tpu.memory_space<vmem>>, %arg4: memref<1x256xf32, #tpu.memory_space<vmem>>, %arg5: memref<256x256xf32, #tpu.memory_space<vmem>>, %arg6: memref<1x256xf32, #tpu.memory_space<vmem>>, %arg7: memref<768x256xf32, #tpu.memory_space<vmem>>, %arg8: memref<768x256xf32, #tpu.memory_space<vmem>>, %arg9: memref<1x768xf32, #tpu.memory_space<vmem>>, %arg10: memref<1x768xf32, #tpu.memory_space<vmem>>, %arg11: memref<1024x256xf32, #tpu.memory_space<vmem>>, %arg12: memref<1024x768xf32, #tpu.memory_space<vmem>>, %arg13: memref<1024x256xf32, #tpu.memory_space<vmem>>) attributes {dimension_semantics = [], scalar_prefetch = 0 : i64, scratch_operands = 2 : i64, tpu.core_type = #tpu.core_type<tc>} {
    %get3A = arith.constant 0 : index
    %get3A_0 = arith.constant 0 : index
    %get3A_1 = vector.load %arg0[%get3A, %get3A_0] : memref<1024x256xf32, #tpu.memory_space<vmem>>, vector<1024x256xf32>
    %reduce_sum3A = arith.constant dense<0.000000e+00> : vector<1024xf32>
    %reduce_sum3A_2 = vector.multi_reduction <add>, %get3A_1, %reduce_sum3A [1] : vector<1024x256xf32> to vector<1024xf32>
    %broadcast_in_dim3A = vector.shape_cast %reduce_sum3A_2 : vector<1024xf32> to vector<1024x1xf32>
    %div3A = arith.constant 2.560000e+02 : f32
    %div3A_3 = vector.broadcast %div3A : f32 to vector<1024x1xf32>
    %div3A_4 = arith.divf %broadcast_in_dim3A, %div3A_3 : vector<1024x1xf32>
    %sub3A = vector.broadcast %div3A_4 : vector<1024x1xf32> to vector<1024x256xf32>
    %sub3A_5 = arith.subf %get3A_1, %sub3A : vector<1024x256xf32>
    %sub3A_6 = vector.broadcast %div3A_4 : vector<1024x1xf32> to vector<1024x256xf32>
    %sub3A_7 = arith.subf %get3A_1, %sub3A_6 : vector<1024x256xf32>
    %mul3A = arith.mulf %sub3A_5, %sub3A_7 : vector<1024x256xf32>
    %reduce_sum3A_8 = arith.constant dense<0.000000e+00> : vector<1024xf32>
    %reduce_sum3A_9 = vector.multi_reduction <add>, %mul3A, %reduce_sum3A_8 [1] : vector<1024x256xf32> to vector<1024xf32>
    %broadcast_in_dim3A_10 = vector.shape_cast %reduce_sum3A_9 : vector<1024xf32> to vector<1024x1xf32>
    %div3A_11 = arith.constant 2.560000e+02 : f32
    %div3A_12 = vector.broadcast %div3A_11 : f32 to vector<1024x1xf32>
    %div3A_13 = arith.divf %broadcast_in_dim3A_10, %div3A_12 : vector<1024x1xf32>
    %sub3A_14 = vector.broadcast %div3A_4 : vector<1024x1xf32> to vector<1024x256xf32>
    %sub3A_15 = arith.subf %get3A_1, %sub3A_14 : vector<1024x256xf32>
    %add3A = arith.constant 9.99999974E-6 : f32
    %add3A_16 = vector.broadcast %add3A : f32 to vector<1024x1xf32>
    %add3A_17 = arith.addf %div3A_13, %add3A_16 : vector<1024x1xf32>
    %sqrt3A = math.sqrt %add3A_17 : vector<1024x1xf32>
    %div3A_18 = vector.broadcast %sqrt3A : vector<1024x1xf32> to vector<1024x256xf32>
    %div3A_19 = arith.divf %sub3A_15, %div3A_18 : vector<1024x256xf32>
    %get3A_20 = arith.constant 0 : index
    %get3A_21 = arith.constant 0 : index
    %get3A_22 = vector.load %arg1[%get3A_20, %get3A_21] : memref<1x256xf32, #tpu.memory_space<vmem>>, vector<1x256xf32>
    %mul3A_23 = vector.broadcast %get3A_22 : vector<1x256xf32> to vector<1024x256xf32>
    %mul3A_24 = arith.mulf %div3A_19, %mul3A_23 : vector<1024x256xf32>
    %get3A_25 = arith.constant 0 : index
    %get3A_26 = arith.constant 0 : index
    %get3A_27 = vector.load %arg2[%get3A_25, %get3A_26] : memref<1x256xf32, #tpu.memory_space<vmem>>, vector<1x256xf32>
    %add3A_28 = vector.broadcast %get3A_27 : vector<1x256xf32> to vector<1024x256xf32>
    %add3A_29 = arith.addf %mul3A_24, %add3A_28 : vector<1024x256xf32>
    %get3A_30 = arith.constant 0 : index
    %get3A_31 = arith.constant 0 : index
    %get3A_32 = vector.load %arg3[%get3A_30, %get3A_31] : memref<256x256xf32, #tpu.memory_space<vmem>>, vector<256x256xf32>
    %dot_general3A = arith.constant dense<0.000000e+00> : vector<1024x256xf32>
    %dot_general3A_33 = tpu.matmul %add3A_29, %get3A_32, %dot_general3A {dimension_numbers = #tpu.dot_dimension_numbers<[1], [1], [0], [0], [0, 0, 1, 0], [], []>, transpose_lhs_hint = false} : vector<1024x256xf32>, vector<256x256xf32>, vector<1024x256xf32> -> vector<1024x256xf32>
    %get3A_34 = arith.constant 0 : index
    %get3A_35 = arith.constant 0 : index
    %get3A_36 = vector.load %arg4[%get3A_34, %get3A_35] : memref<1x256xf32, #tpu.memory_space<vmem>>, vector<1x256xf32>
    %add3A_37 = vector.broadcast %get3A_36 : vector<1x256xf32> to vector<1024x256xf32>
    %add3A_38 = arith.addf %dot_general3A_33, %add3A_37 : vector<1024x256xf32>
    %mul3A_39 = arith.constant 5.000000e-01 : f32
    %mul3A_40 = vector.broadcast %mul3A_39 : f32 to vector<1024x256xf32>
    %mul3A_41 = arith.mulf %add3A_38, %mul3A_40 : vector<1024x256xf32>
    %mul3A_42 = arith.constant 0.707106769 : f32
    %mul3A_43 = vector.broadcast %mul3A_42 : f32 to vector<1024x256xf32>
    %mul3A_44 = arith.mulf %add3A_38, %mul3A_43 : vector<1024x256xf32>
    %erf3A = math.erf %mul3A_44 : vector<1024x256xf32>
    %add3A_45 = arith.constant 1.000000e+00 : f32
    %add3A_46 = vector.broadcast %add3A_45 : f32 to vector<1024x256xf32>
    %add3A_47 = arith.addf %add3A_46, %erf3A : vector<1024x256xf32>
    %mul3A_48 = arith.mulf %mul3A_41, %add3A_47 : vector<1024x256xf32>
    %swap3A = arith.constant 0 : index
    %swap3A_49 = arith.constant 0 : index
    %swap3A_50 = vector.load %arg13[%swap3A, %swap3A_49] : memref<1024x256xf32, #tpu.memory_space<vmem>>, vector<1024x256xf32>
    tpu.vector_store %arg13[%swap3A, %swap3A_49], %mul3A_48 {strides = array<i32>} : memref<1024x256xf32, #tpu.memory_space<vmem>>, vector<1024x256xf32>,
    %get3A_51 = arith.constant 0 : index
    %get3A_52 = arith.constant 0 : index
    %get3A_53 = vector.load %arg5[%get3A_51, %get3A_52] : memref<256x256xf32, #tpu.memory_space<vmem>>, vector<256x256xf32>
    %dot_general3A_54 = arith.constant dense<0.000000e+00> : vector<1024x256xf32>
    %dot_general3A_55 = tpu.matmul %add3A_29, %get3A_53, %dot_general3A_54 {dimension_numbers = #tpu.dot_dimension_numbers<[1], [1], [0], [0], [0, 0, 1, 0], [], []>, transpose_lhs_hint = false} : vector<1024x256xf32>, vector<256x256xf32>, vector<1024x256xf32> -> vector<1024x256xf32>
    %get3A_56 = arith.constant 0 : index
    %get3A_57 = arith.constant 0 : index
    %get3A_58 = vector.load %arg6[%get3A_56, %get3A_57] : memref<1x256xf32, #tpu.memory_space<vmem>>, vector<1x256xf32>
    %add3A_59 = vector.broadcast %get3A_58 : vector<1x256xf32> to vector<1024x256xf32>
    %add3A_60 = arith.addf %dot_general3A_55, %add3A_59 : vector<1024x256xf32>
    %get3A_61 = arith.constant 0 : index
    %get3A_62 = arith.constant 0 : index
    %get3A_63 = vector.load %arg7[%get3A_61, %get3A_62] : memref<768x256xf32, #tpu.memory_space<vmem>>, vector<768x256xf32>
    %dot_general3A_64 = arith.constant dense<0.000000e+00> : vector<1024x768xf32>
    %dot_general3A_65 = tpu.matmul %add3A_60, %get3A_63, %dot_general3A_64 {dimension_numbers = #tpu.dot_dimension_numbers<[1], [1], [0], [0], [0, 0, 1, 0], [], []>, transpose_lhs_hint = false} : vector<1024x256xf32>, vector<768x256xf32>, vector<1024x768xf32> -> vector<1024x768xf32>
    %get3A_66 = arith.constant 0 : index
    %get3A_67 = arith.constant 0 : index
    %get3A_68 = vector.load %arg9[%get3A_66, %get3A_67] : memref<1x768xf32, #tpu.memory_space<vmem>>, vector<1x768xf32>
    %add3A_69 = vector.broadcast %get3A_68 : vector<1x768xf32> to vector<1024x768xf32>
    %add3A_70 = arith.addf %dot_general3A_65, %add3A_69 : vector<1024x768xf32>
    %swap3A_71 = arith.constant 0 : index
    %swap3A_72 = arith.constant 0 : index
    %swap3A_73 = vector.load %arg12[%swap3A_71, %swap3A_72] : memref<1024x768xf32, #tpu.memory_space<vmem>>, vector<1024x768xf32>
    tpu.vector_store %arg12[%swap3A_71, %swap3A_72], %add3A_70 {strides = array<i32>} : memref<1024x768xf32, #tpu.memory_space<vmem>>, vector<1024x768xf32>,
    %get3A_74 = arith.constant 0 : index
    %get3A_75 = arith.constant 0 : index
    %get3A_76 = vector.load %arg8[%get3A_74, %get3A_75] : memref<768x256xf32, #tpu.memory_space<vmem>>, vector<768x256xf32>
    %get3A_77 = arith.constant 0 : index
    %get3A_78 = arith.constant 0 : index
    %get3A_79 = vector.load %arg10[%get3A_77, %get3A_78] : memref<1x768xf32, #tpu.memory_space<vmem>>, vector<1x768xf32>
    %broadcast_in_dim3A_80 = arith.constant 0.000000e+00 : f32
    %broadcast_in_dim3A_81 = vector.broadcast %broadcast_in_dim3A_80 : f32 to vector<1x256xf32>
    %scan3A = arith.constant 0 : i32
    %scan3A_82 = arith.constant 1024 : i32
    %scan3A_83 = arith.addi %scan3A, %scan3A_82 : i32
    %scan3A_84 = arith.constant 1 : i32
    %scan3A_85 = scf.for %scan3A_87 = %scan3A to %scan3A_83 step %scan3A_84 iter_args(%scan3A_88 = %broadcast_in_dim3A_81) -> (vector<1x256xf32>)  : i32 {
      %get3A_89 = arith.index_cast %scan3A_87 : i32 to index
      %get3A_90 = arith.constant 0 : index
      %get3A_91 = vector.load %arg12[%get3A_89, %get3A_90] : memref<1024x768xf32, #tpu.memory_space<vmem>>, vector<1x768xf32>
      %dot_general3A_92 = arith.constant dense<0.000000e+00> : vector<1x768xf32>
      %dot_general3A_93 = tpu.matmul %scan3A_88, %get3A_76, %dot_general3A_92 {dimension_numbers = #tpu.dot_dimension_numbers<[1], [1], [0], [0], [0, 0, 1, 0], [], []>, transpose_lhs_hint = false} : vector<1x256xf32>, vector<768x256xf32>, vector<1x768xf32> -> vector<1x768xf32>
      %add3A_94 = arith.addf %dot_general3A_93, %get3A_79 : vector<1x768xf32>
      %slice3A = vector.extract_strided_slice %get3A_91 {offsets = [0, 0], sizes = [1, 256], strides = [1, 1]} : vector<1x768xf32> to vector<1x256xf32>
      %slice3A_95 = vector.extract_strided_slice %add3A_94 {offsets = [0, 0], sizes = [1, 256], strides = [1, 1]} : vector<1x768xf32> to vector<1x256xf32>
      %add3A_96 = arith.addf %slice3A, %slice3A_95 : vector<1x256xf32>
      %logistic3A = arith.negf %add3A_96 : vector<1x256xf32>
      %logistic3A_97 = math.exp %logistic3A : vector<1x256xf32>
      %logistic3A_98 = arith.constant 1.000000e+00 : f32
      %logistic3A_99 = vector.broadcast %logistic3A_98 : f32 to vector<1x256xf32>
      %logistic3A_100 = arith.addf %logistic3A_99, %logistic3A_97 : vector<1x256xf32>
      %logistic3A_101 = arith.divf %logistic3A_99, %logistic3A_100 : vector<1x256xf32>
      %slice3A_102 = vector.extract_strided_slice %get3A_91 {offsets = [0, 256], sizes = [1, 256], strides = [1, 1]} : vector<1x768xf32> to vector<1x256xf32>
      %slice3A_103 = vector.extract_strided_slice %add3A_94 {offsets = [0, 256], sizes = [1, 256], strides = [1, 1]} : vector<1x768xf32> to vector<1x256xf32>
      %add3A_104 = arith.addf %slice3A_102, %slice3A_103 : vector<1x256xf32>
      %logistic3A_105 = arith.negf %add3A_104 : vector<1x256xf32>
      %logistic3A_106 = math.exp %logistic3A_105 : vector<1x256xf32>
      %logistic3A_107 = arith.constant 1.000000e+00 : f32
      %logistic3A_108 = vector.broadcast %logistic3A_107 : f32 to vector<1x256xf32>
      %logistic3A_109 = arith.addf %logistic3A_108, %logistic3A_106 : vector<1x256xf32>
      %logistic3A_110 = arith.divf %logistic3A_108, %logistic3A_109 : vector<1x256xf32>
      %slice3A_111 = vector.extract_strided_slice %get3A_91 {offsets = [0, 512], sizes = [1, 256], strides = [1, 1]} : vector<1x768xf32> to vector<1x256xf32>
      %slice3A_112 = vector.extract_strided_slice %add3A_94 {offsets = [0, 512], sizes = [1, 256], strides = [1, 1]} : vector<1x768xf32> to vector<1x256xf32>
      %mul3A_113 = arith.mulf %logistic3A_101, %slice3A_112 : vector<1x256xf32>
      %add3A_114 = arith.addf %slice3A_111, %mul3A_113 : vector<1x256xf32>
      %tanh3A = math.tanh %add3A_114 : vector<1x256xf32>
      %sub3A_115 = arith.constant 1.000000e+00 : f32
      %sub3A_116 = vector.broadcast %sub3A_115 : f32 to vector<1x256xf32>
      %sub3A_117 = arith.subf %sub3A_116, %logistic3A_110 : vector<1x256xf32>
      %mul3A_118 = arith.mulf %sub3A_117, %tanh3A : vector<1x256xf32>
      %mul3A_119 = arith.mulf %logistic3A_110, %scan3A_88 : vector<1x256xf32>
      %add3A_120 = arith.addf %mul3A_118, %mul3A_119 : vector<1x256xf32>
      %get3A_121 = arith.index_cast %scan3A_87 : i32 to index
      %get3A_122 = arith.constant 0 : index
      %get3A_123 = vector.load %arg13[%get3A_121, %get3A_122] : memref<1024x256xf32, #tpu.memory_space<vmem>>, vector<1x256xf32>
      %mul3A_124 = arith.mulf %get3A_123, %add3A_120 : vector<1x256xf32>
      %swap3A_125 = arith.index_cast %scan3A_87 : i32 to index
      %swap3A_126 = arith.constant 0 : index
      %swap3A_127 = vector.load %arg11[%swap3A_125, %swap3A_126] : memref<1024x256xf32, #tpu.memory_space<vmem>>, vector<1x256xf32>
      tpu.vector_store %arg11[%swap3A_125, %swap3A_126], %mul3A_124 {strides = array<i32>} : memref<1024x256xf32, #tpu.memory_space<vmem>>, vector<1x256xf32>,
      scf.yield %add3A_120 : vector<1x256xf32>
    }
    %scan3A_86 = arith.constant 1024 : i32
    return
  }
}

module attributes {stable_mosaic.version = 14 : i64} {
  func.func @_fin_body(%arg0: i32, %arg1: memref<400x256xf32, #tpu.memory_space<vmem>>, %arg2: memref<2x400x128xf32, #tpu.memory_space<vmem>>, %arg3: memref<2x400x128xf32, #tpu.memory_space<vmem>>, %arg4: memref<1x1x400xi32, #tpu.memory_space<vmem>>, %arg5: memref<1024x256xf32, #tpu.memory_space<vmem>>, %arg6: memref<256x256xf32, #tpu.memory_space<vmem>>, %arg7: memref<1x256xf32, #tpu.memory_space<vmem>>, %arg8: memref<256x256xf32, #tpu.memory_space<vmem>>, %arg9: memref<40x256xf32, #tpu.memory_space<vmem>>, %arg10: memref<1x40xf32, #tpu.memory_space<vmem>>, %arg11: memref<400x40xf32, #tpu.memory_space<vmem>>) attributes {dimension_semantics = [#tpu.dimension_semantics<arbitrary>], iteration_bounds = array<i64: 25>, scalar_prefetch = 0 : i64, scratch_operands = 0 : i64, tpu.core_type = #tpu.core_type<tc>, window_params = [{transform_indices = @transform_0, window_bounds = array<i64: 400, 256>}, {transform_indices = @transform_1, window_bounds = array<i64: 2, 400, 128>}, {transform_indices = @transform_2, window_bounds = array<i64: 2, 400, 128>}, {transform_indices = @transform_3, window_bounds = array<i64: 1, 1, 400>}, {pipeline_mode = #tpu.pipeline_mode<synchronous>, transform_indices = @transform_4, window_bounds = array<i64: 1024, 256>}, {pipeline_mode = #tpu.pipeline_mode<synchronous>, transform_indices = @transform_5, window_bounds = array<i64: 256, 256>}, {pipeline_mode = #tpu.pipeline_mode<synchronous>, transform_indices = @transform_6, window_bounds = array<i64: 1, 256>}, {pipeline_mode = #tpu.pipeline_mode<synchronous>, transform_indices = @transform_7, window_bounds = array<i64: 256, 256>}, {pipeline_mode = #tpu.pipeline_mode<synchronous>, transform_indices = @transform_8, window_bounds = array<i64: 40, 256>}, {pipeline_mode = #tpu.pipeline_mode<synchronous>, transform_indices = @transform_9, window_bounds = array<i64: 1, 40>}, {transform_indices = @transform_10, window_bounds = array<i64: 400, 40>}]} {
    %get3A = arith.constant 0 : index
    %get3A_0 = arith.constant 0 : index
    %get3A_1 = arith.constant 0 : index
    %get3A_2 = vector.load %arg3[%get3A, %get3A_0, %get3A_1] : memref<2x400x128xf32, #tpu.memory_space<vmem>>, vector<1x400x1xf32>
    %get3A_3 = vector.shape_cast %get3A_2 : vector<1x400x1xf32> to vector<400x1xf32>
    %get3A_4 = arith.constant 1 : index
    %get3A_5 = arith.constant 0 : index
    %get3A_6 = arith.constant 0 : index
    %get3A_7 = vector.load %arg3[%get3A_4, %get3A_5, %get3A_6] : memref<2x400x128xf32, #tpu.memory_space<vmem>>, vector<1x400x1xf32>
    %get3A_8 = vector.shape_cast %get3A_7 : vector<1x400x1xf32> to vector<400x1xf32>
    %add3A = arith.addf %get3A_3, %get3A_8 : vector<400x1xf32>
    %max3A = arith.constant 1.000000e+00 : f32
    %max3A_9 = vector.broadcast %max3A : f32 to vector<400x1xf32>
    %max3A_10 = arith.maximumf %add3A, %max3A_9 : vector<400x1xf32>
    %div3A = arith.constant 1.000000e+00 : f32
    %div3A_11 = vector.broadcast %div3A : f32 to vector<400x1xf32>
    %div3A_12 = arith.divf %div3A_11, %max3A_10 : vector<400x1xf32>
    %get3A_13 = arith.constant 0 : index
    %get3A_14 = arith.constant 0 : index
    %get3A_15 = arith.constant 0 : index
    %get3A_16 = vector.load %arg2[%get3A_13, %get3A_14, %get3A_15] : memref<2x400x128xf32, #tpu.memory_space<vmem>>, vector<1x400x128xf32>
    %get3A_17 = vector.shape_cast %get3A_16 : vector<1x400x128xf32> to vector<400x128xf32>
    %mul3A = vector.broadcast %div3A_12 : vector<400x1xf32> to vector<400x128xf32>
    %mul3A_18 = arith.mulf %get3A_17, %mul3A : vector<400x128xf32>
    %get3A_19 = arith.constant 1 : index
    %get3A_20 = arith.constant 0 : index
    %get3A_21 = arith.constant 0 : index
    %get3A_22 = vector.load %arg2[%get3A_19, %get3A_20, %get3A_21] : memref<2x400x128xf32, #tpu.memory_space<vmem>>, vector<1x400x128xf32>
    %get3A_23 = vector.shape_cast %get3A_22 : vector<1x400x128xf32> to vector<400x128xf32>
    %mul3A_24 = vector.broadcast %div3A_12 : vector<400x1xf32> to vector<400x128xf32>
    %mul3A_25 = arith.mulf %get3A_23, %mul3A_24 : vector<400x128xf32>
    %get3A_26 = arith.constant 0 : index
    %get3A_27 = arith.constant 0 : index
    %get3A_28 = vector.load %arg6[%get3A_26, %get3A_27] : memref<256x256xf32, #tpu.memory_space<vmem>>, vector<256x256xf32>
    %slice3A = vector.extract_strided_slice %get3A_28 {offsets = [0, 0], sizes = [256, 128], strides = [1, 1]} : vector<256x256xf32> to vector<256x128xf32>
    %dot_general3A = arith.constant dense<0.000000e+00> : vector<400x256xf32>
    %dot_general3A_29 = tpu.matmul %mul3A_18, %slice3A, %dot_general3A {dimension_numbers = #tpu.dot_dimension_numbers<[1], [1], [0], [0], [0, 0, 1, 0], [], []>, transpose_lhs_hint = false} : vector<400x128xf32>, vector<256x128xf32>, vector<400x256xf32> -> vector<400x256xf32>
    %slice3A_30 = vector.extract_strided_slice %get3A_28 {offsets = [0, 128], sizes = [256, 128], strides = [1, 1]} : vector<256x256xf32> to vector<256x128xf32>
    %dot_general3A_31 = arith.constant dense<0.000000e+00> : vector<400x256xf32>
    %dot_general3A_32 = tpu.matmul %mul3A_25, %slice3A_30, %dot_general3A_31 {dimension_numbers = #tpu.dot_dimension_numbers<[1], [1], [0], [0], [0, 0, 1, 0], [], []>, transpose_lhs_hint = false} : vector<400x128xf32>, vector<256x128xf32>, vector<400x256xf32> -> vector<400x256xf32>
    %add3A_33 = arith.addf %dot_general3A_29, %dot_general3A_32 : vector<400x256xf32>
    %get3A_34 = arith.constant 0 : index
    %get3A_35 = arith.constant 0 : index
    %get3A_36 = vector.load %arg7[%get3A_34, %get3A_35] : memref<1x256xf32, #tpu.memory_space<vmem>>, vector<1x256xf32>
    %add3A_37 = vector.broadcast %get3A_36 : vector<1x256xf32> to vector<400x256xf32>
    %add3A_38 = arith.addf %add3A_33, %add3A_37 : vector<400x256xf32>
    %get3A_39 = arith.constant 0 : index
    %get3A_40 = arith.constant 0 : index
    %get3A_41 = vector.load %arg1[%get3A_39, %get3A_40] : memref<400x256xf32, #tpu.memory_space<vmem>>, vector<400x256xf32>
    %get3A_42 = arith.constant 0 : index
    %get3A_43 = arith.constant 0 : index
    %get3A_44 = vector.load %arg8[%get3A_42, %get3A_43] : memref<256x256xf32, #tpu.memory_space<vmem>>, vector<256x256xf32>
    %dot_general3A_45 = arith.constant dense<0.000000e+00> : vector<400x256xf32>
    %dot_general3A_46 = tpu.matmul %get3A_41, %get3A_44, %dot_general3A_45 {dimension_numbers = #tpu.dot_dimension_numbers<[1], [1], [0], [0], [0, 0, 1, 0], [], []>, transpose_lhs_hint = false} : vector<400x256xf32>, vector<256x256xf32>, vector<400x256xf32> -> vector<400x256xf32>
    %add3A_47 = arith.addf %add3A_38, %dot_general3A_46 : vector<400x256xf32>
    %max3A_48 = arith.constant 0.000000e+00 : f32
    %max3A_49 = vector.broadcast %max3A_48 : f32 to vector<400x256xf32>
    %max3A_50 = arith.maximumf %add3A_47, %max3A_49 : vector<400x256xf32>
    %get3A_51 = arith.constant 0 : index
    %get3A_52 = arith.constant 0 : index
    %get3A_53 = arith.constant 0 : index
    %get3A_54 = vector.load %arg4[%get3A_51, %get3A_52, %get3A_53] : memref<1x1x400xi32, #tpu.memory_space<vmem>>, vector<1x1x400xi32>
    %get3A_55 = vector.shape_cast %get3A_54 : vector<1x1x400xi32> to vector<400xi32>
    %iota3A = tpu.iota {dimensions = array<i32: 1>} : vector<400x1024xi32>
    %broadcast_in_dim3A = vector.shape_cast %get3A_55 : vector<400xi32> to vector<400x1xi32>
    %eq3A = vector.broadcast %broadcast_in_dim3A : vector<400x1xi32> to vector<400x1024xi32>
    %eq3A_56 = arith.cmpi eq, %iota3A, %eq3A : vector<400x1024xi32>
    %convert_element_type3A = arith.extui %eq3A_56 : vector<400x1024xi1> to vector<400x1024xi32>
    %convert_element_type3A_57 = arith.sitofp %convert_element_type3A : vector<400x1024xi32> to vector<400x1024xf32>
    %get3A_58 = arith.constant 0 : index
    %get3A_59 = arith.constant 0 : index
    %get3A_60 = vector.load %arg5[%get3A_58, %get3A_59] : memref<1024x256xf32, #tpu.memory_space<vmem>>, vector<1024x256xf32>
    %dot_general3A_61 = arith.constant dense<0.000000e+00> : vector<400x256xf32>
    %dot_general3A_62 = tpu.matmul %convert_element_type3A_57, %get3A_60, %dot_general3A_61 {dimension_numbers = #tpu.dot_dimension_numbers<[1], [0], [0], [1], [0, 0, 1, 1], [], []>, transpose_lhs_hint = false} : vector<400x1024xf32>, vector<1024x256xf32>, vector<400x256xf32> -> vector<400x256xf32>
    %mul3A_63 = arith.mulf %max3A_50, %dot_general3A_62 : vector<400x256xf32>
    %get3A_64 = arith.constant 0 : index
    %get3A_65 = arith.constant 0 : index
    %get3A_66 = vector.load %arg9[%get3A_64, %get3A_65] : memref<40x256xf32, #tpu.memory_space<vmem>>, vector<40x256xf32>
    %dot_general3A_67 = arith.constant dense<0.000000e+00> : vector<400x40xf32>
    %dot_general3A_68 = tpu.matmul %mul3A_63, %get3A_66, %dot_general3A_67 {dimension_numbers = #tpu.dot_dimension_numbers<[1], [1], [0], [0], [0, 0, 1, 0], [], []>, transpose_lhs_hint = false} : vector<400x256xf32>, vector<40x256xf32>, vector<400x40xf32> -> vector<400x40xf32>
    %get3A_69 = arith.constant 0 : index
    %get3A_70 = arith.constant 0 : index
    %get3A_71 = vector.load %arg10[%get3A_69, %get3A_70] : memref<1x40xf32, #tpu.memory_space<vmem>>, vector<1x40xf32>
    %add3A_72 = vector.broadcast %get3A_71 : vector<1x40xf32> to vector<400x40xf32>
    %add3A_73 = arith.addf %dot_general3A_68, %add3A_72 : vector<400x40xf32>
    %reduce_max3A = arith.constant dense<0xFF800000> : vector<400xf32>
    %reduce_max3A_74 = vector.multi_reduction <maximumf>, %add3A_73, %reduce_max3A [1] : vector<400x40xf32> to vector<400xf32>
    %broadcast_in_dim3A_75 = vector.shape_cast %reduce_max3A_74 : vector<400xf32> to vector<400x1xf32>
    %sub3A = vector.broadcast %broadcast_in_dim3A_75 : vector<400x1xf32> to vector<400x40xf32>
    %sub3A_76 = arith.subf %add3A_73, %sub3A : vector<400x40xf32>
    %exp3A = math.exp %sub3A_76 : vector<400x40xf32>
    %sub3A_77 = vector.broadcast %broadcast_in_dim3A_75 : vector<400x1xf32> to vector<400x40xf32>
    %sub3A_78 = arith.subf %add3A_73, %sub3A_77 : vector<400x40xf32>
    %reduce_sum3A = arith.constant dense<0.000000e+00> : vector<400xf32>
    %reduce_sum3A_79 = vector.multi_reduction <add>, %exp3A, %reduce_sum3A [1] : vector<400x40xf32> to vector<400xf32>
    %broadcast_in_dim3A_80 = vector.shape_cast %reduce_sum3A_79 : vector<400xf32> to vector<400x1xf32>
    %log3A = math.log %broadcast_in_dim3A_80 : vector<400x1xf32>
    %sub3A_81 = vector.broadcast %log3A : vector<400x1xf32> to vector<400x40xf32>
    %sub3A_82 = arith.subf %sub3A_78, %sub3A_81 : vector<400x40xf32>
    %swap3A = arith.constant 0 : index
    %swap3A_83 = arith.constant 0 : index
    %swap3A_84 = vector.load %arg11[%swap3A, %swap3A_83] : memref<400x40xf32, #tpu.memory_space<vmem>>, vector<400x40xf32>
    tpu.vector_store %arg11[%swap3A, %swap3A_83], %sub3A_82 {strides = array<i32>} : memref<400x40xf32, #tpu.memory_space<vmem>>, vector<400x40xf32>,
    return
  }
  func.func @transform_0(%arg0: i32) -> (i32, i32) {
    %c0_i32 = arith.constant 0 : i32
    %c0_i32_0 = arith.constant 0 : i32
    return %arg0, %c0_i32 : i32, i32
  }
  func.func @transform_1(%arg0: i32) -> (i32, i32, i32) {
    %c0_i32 = arith.constant 0 : i32
    %c0_i32_0 = arith.constant 0 : i32
    %c0_i32_1 = arith.constant 0 : i32
    return %c0_i32, %arg0, %c0_i32_0 : i32, i32, i32
  }
  func.func @transform_2(%arg0: i32) -> (i32, i32, i32) {
    %c0_i32 = arith.constant 0 : i32
    %c0_i32_0 = arith.constant 0 : i32
    %c0_i32_1 = arith.constant 0 : i32
    return %c0_i32, %arg0, %c0_i32_0 : i32, i32, i32
  }
  func.func @transform_3(%arg0: i32) -> (i32, i32, i32) {
    %c0_i32 = arith.constant 0 : i32
    %c0_i32_0 = arith.constant 0 : i32
    %c0_i32_1 = arith.constant 0 : i32
    return %arg0, %c0_i32, %c0_i32_0 : i32, i32, i32
  }
  func.func @transform_4(%arg0: i32) -> (i32, i32) {
    %c0_i32 = arith.constant 0 : i32
    %c0_i32_0 = arith.constant 0 : i32
    %c0_i32_1 = arith.constant 0 : i32
    return %c0_i32, %c0_i32_0 : i32, i32
  }
  func.func @transform_5(%arg0: i32) -> (i32, i32) {
    %c0_i32 = arith.constant 0 : i32
    %c0_i32_0 = arith.constant 0 : i32
    %c0_i32_1 = arith.constant 0 : i32
    return %c0_i32, %c0_i32_0 : i32, i32
  }
  func.func @transform_6(%arg0: i32) -> (i32, i32) {
    %c0_i32 = arith.constant 0 : i32
    %c0_i32_0 = arith.constant 0 : i32
    %c0_i32_1 = arith.constant 0 : i32
    return %c0_i32, %c0_i32_0 : i32, i32
  }
  func.func @transform_7(%arg0: i32) -> (i32, i32) {
    %c0_i32 = arith.constant 0 : i32
    %c0_i32_0 = arith.constant 0 : i32
    %c0_i32_1 = arith.constant 0 : i32
    return %c0_i32, %c0_i32_0 : i32, i32
  }
  func.func @transform_8(%arg0: i32) -> (i32, i32) {
    %c0_i32 = arith.constant 0 : i32
    %c0_i32_0 = arith.constant 0 : i32
    %c0_i32_1 = arith.constant 0 : i32
    return %c0_i32, %c0_i32_0 : i32, i32
  }
  func.func @transform_9(%arg0: i32) -> (i32, i32) {
    %c0_i32 = arith.constant 0 : i32
    %c0_i32_0 = arith.constant 0 : i32
    %c0_i32_1 = arith.constant 0 : i32
    return %c0_i32, %c0_i32_0 : i32, i32
  }
  func.func @transform_10(%arg0: i32) -> (i32, i32) {
    %c0_i32 = arith.constant 0 : i32
    %c0_i32_0 = arith.constant 0 : i32
    return %arg0, %c0_i32 : i32, i32
  }
}

</mosaic_0001>

<sc_bundles>
// kernel: kernel.5.cloned.1.call-start
scs
__scs_entry_jumppad:
0x0: {  	(pc) =	sbr.rel $0x88, $3  }
0x1: {  	(tag) =	ssettag $0x0;
	lr =	simm.s32 $0x1  }
0x2: {  	[smem:$0x3F8E] =	sst lr;
	_ =	strace $0xD0000000  }
0x3: {  	_ = 	snop  }
0x4: {  	_ = 	snop  }
0x5: {  	_ = 	snop  }
0x6: {  	_ = 	snop  }
0x7: {  	_ = 	snop  }
__scs_overlays_trampoline_lowered:
0x8: {  	[smem:$0x3F9D] =	sst s0  }
0x9: {  	[smem:$0x3F9E] =	sst s1  }
0xa: {  	[smem:$0x3F9F] =	sst s2  }
0xb: {  	[smem:$0x3FA0] =	sst s3  }
0xc: {  	[smem:$0x3FA1] =	sst s4  }
0xd: {  	[smem:$0x3FA2] =	sst s5  }
0xe: {  	[smem:$0x3FA3] =	sst s6  }
0xf: {  	[smem:$0x3FA4] =	sst s7  }
0x10: {  	[smem:$0x3FA5] =	sst s8  }
0x11: {  	[smem:$0x3FA6] =	sst s9;
	s0 =	simm.s32 @!p0 $0x0  }
0x12: {  	s1 =	sld [smem:$0x3F8C];
	s0 =	simm.s32 @p0 $0x1  }
0x13: {  	[smem:$0x3FA7] =	sst s0;
	s0 =	simm.s32 @!p1 $0x0  }
0x14: {  	s2 =	sld [smem:$0x3F8B];
	s0 =	simm.s32 @p1 $0x1  }
0x15: {  	[smem:$0x3FA8] =	sst s0;
	s0 =	simm.s32 @!p2 $0x0  }
0x16: {  	s3 =	sld [smem:$0x3FDB];
	s0 =	simm.s32 @p2 $0x1  }
0x17: {  	s4 =	simm.s32 $0x1BF5;
	[smem:$0x3FAA] =	sst s0  }
0x18: {  	s0 =	sld [smem:$0x3F8D];
	_ =	swait.ge [sflag:s4], $0x0  }
0x19: {  	s7 =	sld [smem:$0x3F8E]  }
0x1a: {  	s8 =	sadd.s32 $0xFFFFE003, lr  }
0x1b: {  	s9 =	sadd.s32 $0xFFFFFEF7, lr;
	s5 =	simm.s32 $0xFFFFFFFF;
	p2 =	slt.u32 s8, $0xFFFFF086  }
0x1c: {  	p1 =	slt.u32 s9, $0xF7A;
	s5 =	simm.s32 @!p2 $0x0  }
0x1d: {  	s5 =	simm.s32 @p1 $0x1;
	p0 =	seq.s32 s7, s2  }
0x1e: {  	s7 =	smul.u32 @!p0 $0xF7A, s2;
	p2 =	seq.s32 @!p0 s5, $0x0  }
0x1f: {  	s9 =	smul.u32 $0xF7A, s1;
	s8 =	simm.s32 @!p0 $0x1BF5;
	p2 =	por !p2, p0  }
0x20: {  	[sflag:s8] =	ssyncset.s32 @!p0 $0xFFFFF086;
	s6 =	sadd.s32 @!p0 s3, s7;
	s7 =	simm.s32 @!p0 $0x108  }
0x21: {  	s3 =	sadd.s32 s3, s9;
	s6 =	sadd.s32 @!p0 $0x88, s6;
	s7 =	simm.s32 @p2 $0x1082  }
0x22: {  	[simem:s7], [sflag:s8] =	dma.local @!p0 [hbm:s6], $0xF7A  }
0x23: {  	s9 =	sor.u32 $0xD0000000, s2;
	s6 =	simm.s32 $0x108;
	_ =	swait.ge @!p0 [sflag:s8], $0x0  }
0x24: {  	s3 =	sadd.s32 $0x88, s3;
	s6 =	simm.s32 @!p1 $0x1082;
	[sflag:s4] =	ssyncset.s32 $0xFFFFF086  }
0x25: {  	[simem:s6], [sflag:s4] =	dma.local [hbm:s3], $0xF7A  }
0x26: {  	[smem:$0x3F8E] =	sst s1;
	(tag) =	ssettag s2;
	_ =	strace s9  }
0x27: {  	s1 =	sld [smem:$0x3F9E]  }
0x28: {  	s2 =	sld [smem:$0x3F9F]  }
0x29: {  	s4 =	sld [smem:$0x3FA1]  }
0x2a: {  	p0 =	seq.s32 s5, $0x0;
	s5 =	sld [smem:$0x3FA2]  }
0x2b: {  	s6 =	sld [smem:$0x3FA3]  }
0x2c: {  	s7 =	sld [smem:$0x3FA4]  }
0x2d: {  	s3 =	simm.s32 $0x108;
	s8 =	sld [smem:$0x3FA5]  }
0x2e: {  	s3 =	simm.s32 @!p0 $0x1082;
	s9 =	sld [smem:$0x3FA6]  }
0x2f: {  	lr =	sadd.s32 s0, s3;
	s0 =	sld [smem:$0x3F9D]  }
0x30: {  	s3 =	sld [smem:$0x3FA0]  }
0x31: {  	[smem:$0x3FA9] =	sst s10  }
0x32: {  	s10 =	sld [smem:$0x3FA7];
	_ =	sdelay $0x3  }
0x33: {  	p0 =	seq.s32 s10, $0x1;
	s10 =	sld [smem:$0x3FA9];
	_ =	sdelay $0x3  }
0x34: {  	[smem:$0x3FA9] =	sst s10  }
0x35: {  	s10 =	sld [smem:$0x3FA8];
	_ =	sdelay $0x3  }
0x36: {  	p1 =	seq.s32 s10, $0x1;
	s10 =	sld [smem:$0x3FA9];
	_ =	sdelay $0x3  }
0x37: {  	[smem:$0x3FA9] =	sst s10  }
0x38: {  	s10 =	sld [smem:$0x3FAA]  }
0x39: {  	_ = 	snop;
	(pc) =	sbr.ind lr, $3  }
0x3a: {  	_ = 	snop  }
0x3b: {  	_ = 	snop  }
0x3c: {  	p2 =	seq.s32 s10, $0x1;
	s10 =	sld [smem:$0x3FA9]  }
0x3d: {  	_ =	shalt  }
0x3e: {  	_ =	shalt  }
0x3f: {  	_ =	shalt  }
0x40: {  	_ =	shalt  }
0x41: {  	_ =	shalt  }
0x42: {  	_ =	shalt  }
0x43: {  	_ =	shalt  }
0x44: {  	_ =	shalt  }
0x45: {  	_ =	shalt  }
0x46: {  	_ =	shalt  }
0x47: {  	_ =	shalt  }
0x48: {  	_ =	shalt  }
0x49: {  	_ =	shalt  }
0x4a: {  	_ =	shalt  }
0x4b: {  	_ =	shalt  }
0x4c: {  	_ =	shalt  }
0x4d: {  	_ =	shalt  }
0x4e: {  	_ =	shalt  }
0x4f: {  	_ =	shalt  }
0x50: {  	_ =	shalt  }
0x51: {  	_ =	shalt  }
0x52: {  	_ =	shalt  }
0x53: {  	_ =	shalt  }
0x54: {  	_ =	shalt  }
0x55: {  	_ =	shalt  }
0x56: {  	_ =	shalt  }
0x57: {  	_ =	shalt  }
0x58: {  	_ =	shalt  }
0x59: {  	_ =	shalt  }
0x5a: {  	_ =	shalt  }
0x5b: {  	_ =	shalt  }
0x5c: {  	_ =	shalt  }
0x5d: {  	_ =	shalt  }
0x5e: {  	_ =	shalt  }
0x5f: {  	_ =	shalt  }
0x60: {  	_ =	shalt  }
0x61: {  	_ =	shalt  }
0x62: {  	_ =	shalt  }
0x63: {  	_ =	shalt  }
0x64: {  	_ =	shalt  }
0x65: {  	_ =	shalt  }
0x66: {  	_ =	shalt  }
0x67: {  	_ =	shalt  }
0x68: {  	_ =	shalt  }
0x69: {  	_ =	shalt  }
0x6a: {  	_ =	shalt  }
0x6b: {  	_ =	shalt  }
0x6c: {  	_ =	shalt  }
0x6d: {  	_ =	shalt  }
0x6e: {  	_ =	shalt  }
0x6f: {  	_ =	shalt  }
0x70: {  	_ =	shalt  }
0x71: {  	_ =	shalt  }
0x72: {  	_ =	shalt  }
0x73: {  	_ =	shalt  }
0x74: {  	_ =	shalt  }
0x75: {  	_ =	shalt  }
0x76: {  	_ =	shalt  }
0x77: {  	_ =	shalt  }
0x78: {  	_ =	shalt  }
0x79: {  	_ =	shalt  }
0x7a: {  	_ =	shalt  }
0x7b: {  	_ =	shalt  }
0x7c: {  	_ =	shalt  }
0x7d: {  	_ =	shalt  }
0x7e: {  	_ =	shalt  }
0x7f: {  	_ =	shalt  }
0x80: {  	_ =	shalt  }
0x81: {  	_ =	shalt  }
0x82: {  	_ =	shalt  }
0x83: {  	_ =	shalt  }
0x84: {  	_ =	shalt  }
0x85: {  	_ =	shalt  }
0x86: {  	_ =	shalt  }
0x87: {  	_ =	shalt  }
.Lfunc_end0:
.L_simem_size_0:
called_computation_lowered:
.L_overlay_start_0:
0x88: {  	s2 =	sld [smem:$0x3FD9]  }
0x89: {  	s3 =	sld [smem:$0x3FFE];
	_ =	sdelay $0x1  }
0x8a: {  	s1 =	srdreg.scid  }
0x8b: {  	s0 =	sand.u32 $0x1, s1  }
0x8c: {  	s17 =	sshll.u32 s0, $0xA;
	s2 =	sadd.s32 s3, s2  }
0x8d: {  	s2 =	sadd.s32 s2, s17  }
0x8e: {  	[smem:$0x3FB5] =	sst s2  }
0x8f: {  	_ = 	snop  }
0x90: {  	s2 =	sld [smem:$0x3FD0];
	(tm) =	ssettm $0x1  }
0x91: {  	s18 =	sld [smem:$0x3FFB];
	_ =	sdelay $0x3  }
0x92: {  	_ =	strace s18  }
0x93: {  	s3 =	sld [smem:$0x3FFC];
	_ =	sdelay $0x3  }
0x94: {  	_ =	strace s3  }
0x95: {  	s3 =	sld [smem:$0x3FFD];
	_ =	sdelay $0x3  }
0x96: {  	_ =	strace s3  }
0x97: {  	_ =	strace $0x8FFFFFFF  }
0x98: {  	s19 =	sld [smem:$0x3FDB];
	_ =	sdelay $0x1  }
0x99: {  	s4 =	simm.s32 $_scs_section_size  }
0x9a: {  	s5 =	simm.s32 $_size__tile_overlayer_lowered;
	s6 =	simm.s32 $_tile_overlayer_lowered  }
0x9b: {  	s22 =	simm.s32 $0x1BFF;
	s21 =	sshll.u32 s6, $0x1;
	s3 =	sadd.s32 s4, s19  }
0x9c: {  	s7 =	simm.s32 $0x0;
	s20 =	sshll.u32 s5, $0x1;
	s5 =	sadd.s32 s21, s3  }
0x9d: {  	[timem:s7], [sflag:s22] =	dma.local [hbm:s5], s20  }
0x9e: {  	_ =	swait.ge [sflag:s22], s20  }
0x9f: {  	s4 =	ssub.s32 $0x0, s20;
	[sflag:s22] =	ssyncset.done $0x0  }
0xa0: {  	[sflag:s22] =	ssyncadd.s32 s4;
	_ =	sdelay $0x1  }
0xa1: {  	s23 =	simm.s32 $0x1B8B  }
0xa2: {  	_ =	swait.ge [sflag:s23], $0x1  }
0xa3: {  	[sflag:s23] =	ssyncset.done $0x0  }
0xa4: {  	s25 =	simm.s32 $0x1B8E;
	s24 =	sld [smem:$0x3FFE];
	[sflag:s23] =	ssyncadd.s32 $0xFFFFFFFF  }
0xa5: {  	s26 =	simm.s32 $execute0_lowered;
	[smem:$0x3FD2] =	sst s25  }
0xa6: {  	s5 =	sshll.u32 s26, $0x1;
	_ =	strace $0x80000046;
	[dreg:$0x1] =	wrdreg $0xFFFFFFFF  }
0xa7: {  	s28 =	simm.s32 $_size_execute0_lowered;
	s3 =	sadd.s32 s3, s5;
	[dreg:$0x0] =	wrdreg $0x0  }
0xa8: {  	s5 =	sshll.u32 s28, $0x1;
	[dreg:$0x2] =	wrdreg s3  }
0xa9: {  	[dreg:$0x3] =	wrdreg s5  }
0xaa: {  	[dreg:$0x4] =	wrdreg $0xC0  }
0xab: {  	_ =	task [dreg:s7], $0x5FFFF  }
0xac: {  	[dreg:$0x1] =	wrdreg $0xFFFFFFFF  }
0xad: {  	[dreg:$0x0] =	wrdreg $0x60  }
0xae: {  	[dreg:$0x2] =	wrdreg s24  }
0xaf: {  	[dreg:$0x3] =	wrdreg s2  }
0xb0: {  	[dreg:$0x4] =	wrdreg $0x83800  }
0xb1: {  	[dreg:$0x5] =	wrdreg $0x9  }
0xb2: {  	_ =	task.clear_ibuf [dreg:s7], $0x6FFFF;
	_ =	strace $0x90000046  }
0xb3: {  	s29 =	simm.s32 $0x9;
	_ =	strace $0x80000048  }
0xb4: {  	_ =	swait.ge [sflag:s29], $0x1  }
0xb5: {  	[sflag:s29] =	ssyncadd.s32 $0xFFFFFFFF  }
0xb6: {  	_ =	strace $0x90000048  }
0xb7: {  	_ =	sfence  }
0xb8: {  	s30 =	sld [smem:$0x0];
	_ =	sdelay $0x2  }
0xb9: {  	s31 =	sshll.u32 s1, $0xD;
	s1 =	sshrl.u32 s1, $0x2  }
0xba: {  	s3 =	sand.u32 $0x4000, s31;
	s1 =	sadd.s32 s1, s30  }
0xbb: {  	s0 =	sor.u32 s3, s0;
	s1 =	sshll.u32 s1, $0x11  }
0xbc: {  	s0 =	sor.u32 s1, s0  }
0xbd: {  	s0 =	sadd.s32 $0x8F2B, s0  }
0xbe: {  	[sflag:s0] =	ssyncadd.remote.s32 $0x1  }
0xbf: {  	_ =	sfence.sel $0xFFFF  }
0xc0: {  	[dreg:$0x0] =	wrdreg $0xFFFFFFFF;
	(pc) =	sbr.abs _section_cstart, $3  }
0xc1: {  	[dreg:$0x1] =	wrdreg $0xFFFFFFFF  }
0xc2: {  	_ =	task.clear_ibuf [dreg:s7], $0x2FFFF;
	_ =	strace $0x9FFFFFFF  }
0xc3: {  	(tm) =	ssettm $0x7FFFFFFF  }
tec
execute0_lowered:
.L_overlay_start_1:
0x0: {  	(tag) =	ssettag $0x1  }
0x1: {  	s0 =	rddreg [dreg:$0x0]  }
0x2: {  	s3 =	rddreg [dreg:$0x1]  }
0x3: {  	s1 =	rddreg [dreg:$0x2];
	s2 =	simm.s32 $0x0  }
0x4: {  	s5 =	srdreg.scid;
	s14 =	stileid.u32;
	s30 =	simm.s32 $0x100  }
0x5: {  	s31 =	simm.s32 $0x3;
	[smem:$0x7FF] =	sst s2;
	s8 =	smul.u32 $0x4E20, s14  }
0x6: {  	s4 =	sadd.s32 $0x2A00, s0;
	s5 =	sand.u32 $0x1, s5;
	s10 =	smul.u32 $0x50000, s14  }
0x7: {  	s7 =	sadd.s32 $0x50C00, s0;
	s0 =	sadd.s32 $0x9EE00, s0;
	s12 =	smul.u32 $0x14000, s14  }
0x8: {  	s25 =	sadd.s32 $0x138000, s1;
	p0 =	seq.s32 s14, $0xF;
	s11 =	smul.u32 $0x138800, s5  }
0x9: {  	_ =	strace $0x80000047;
	s6 =	ssub.s32 $0x2, s5;
	s13 =	smul.u32 $0x2700, s5  }
0xa: {  	p1 =	sne.s32 s5, $0x0;
	s9 =	sshrl.u32 s6, $0x1;
	s20 =	sshrl.u32 s8, $0x3  }
0xb: {  	s10 =	sshrl.u32 s10, $0x2;
	s9 =	ssub.s32 s6, s9;
	s15 =	sadd.s32 s3, s20  }
0xc: {  	s29 =	sadd.s32 s10, s1;
	s23 =	sadd.s32 s12, s11;
	s11 =	sshrl.u32 s11, $0x3  }
0xd: {  	s12 =	sadd.s32 $0x12C000, s1;
	s8 =	sadd.s32 s13, s8;
	[dreg:$0x4] =	wrdreg s15  }
0xe: {  	s13 =	smul.u32 $0x9C4, s14;
	s21 =	sadd.s32 $0x20, s15;
	[dreg:$0xd] =	wrdreg s12  }
0xf: {  	s14 =	simm.s32 $0x280;
	s22 =	sadd.s32 $0x9C0, s15;
	[dreg:$0x5] =	wrdreg s21  }
0x10: {  	s10 =	sshrl.u32 s23, $0x3;
	s26 =	sadd.s32 $0x9C2, s15;
	[dreg:$0x6] =	wrdreg s22  }
0x11: {  	s11 =	sadd.s32 $0x25800, s11;
	s18 =	sadd.s32 $0xC000, s29;
	[dreg:$0x9] =	wrdreg s26  }
0x12: {  	s28 =	sadd.s32 $0x8000, s29;
	s19 =	sadd.s32 $0x10000, s29;
	[dreg:$0x11] =	wrdreg s18  }
0x13: {  	s15 =	sadd.s32 $0x380, s8;
	s23 =	sadd.s32 $0x130000, s1;
	[dreg:$0x12] =	wrdreg s19  }
0x14: {  	s24 =	sadd.s32 s7, s10;
	s7 =	sadd.s32 s7, s11;
	[dreg:$0x13] =	wrdreg s23  }
0x15: {  	s6 =	sadd.s32 s0, s10;
	s0 =	sadd.s32 s0, s11;
	[dreg:$0x7] =	wrdreg s24  }
0x16: {  	s10 =	smax.u32 s9, $0x1;
	s11 =	sshrl.u32 s8, $0x3;
	[dreg:$0x8] =	wrdreg s7  }
0x17: {  	s26 =	sadd.s32 $0x4000, s29;
	s9 =	sshrl.u32 s15, $0x3;
	[dreg:$0xa] =	wrdreg s6  }
0x18: {  	s20 =	sadd.s32 s13, s3;
	s13 =	simm.s32 $0x2;
	[dreg:$0xb] =	wrdreg s0  }
0x19: {  	s15 =	simm.s32 $0x5;
	s19 =	simm.s32 $0x7;
	[dreg:$0xc] =	wrdreg s10  }
0x1a: {  	s0 =	sadd.s32 s3, s11;
	s7 =	sadd.s32 $0x280, s8;
	s21 =	sadd.s32 s9, s3  }
0x1b: {  	s24 =	sadd.s32 $0x134000, s1;
	s8 =	simm.s32 $0x4;
	s9 =	simm.s32 $0x4380  }
0x1c: {  	s10 =	simm.s32 $0x1;
	s16 =	sadd.s32 $0x10, s0;
	[dreg:$0x14] =	wrdreg s24  }
0x1d: {  	s11 =	simm.s32 $0x200;
	s17 =	sadd.s32 $0x30, s0;
	[dreg:$0xe] =	wrdreg s16  }
0x1e: {  	s7 =	sshrl.u32 s7, $0x3;
	s0 =	sadd.s32 $0x4D0, s0;
	[dreg:$0xf] =	wrdreg s17  }
0x1f: {  	s24 =	simm.s32 $0x0;
	s22 =	sadd.s32 s7, s3;
	[dreg:$0x10] =	wrdreg s0  }
0x20: {  	v1 =	vimm.f32 $0.0e+00;
	v2 =	vimm.f32 $1.000000000e+00;
	v0 =	vmov s5;
	s0 =	simm.s32 $0x80;
	s3 =	simm.s32 $0x380;
	s16 =	simm.s32 $0x6  }
.LBB2_1:
0x21: {  	s5 =	simm.s32 $0x0;
	s7 =	simm.s32 $0x200  }
.LBB2_2:
0x22: {  	p2 =	sne.s32 s7, $0xFE00;
	[tilespmem:s5+$0x3F0] =	vst v1  }
0x23: {  	[tilespmem:s5+$0x380] =	vst v1  }
0x24: {  	[tilespmem:s5+$0x390] =	vst v1  }
.Ltmp0:
0x25: {  	[tilespmem:s5+$0x3A0] =	vst v1;
	(pc) =	sbr.rel @p2 .LBB2_2-.Ltmp0, $4  }
0x26: {  	[tilespmem:s5+$0x3B0] =	vst v1  }
0x27: {  	[tilespmem:s5+$0x3C0] =	vst v1  }
0x28: {  	[tilespmem:s5+$0x3D0] =	vst v1  }
0x29: {  	[tilespmem:s5+$0x3E0] =	vst v1;
	s5 =	sshra.s32 s7, $0x2;
	s7 =	sadd.s32 $0x200, s7  }
0x2a: {  	[tilespmem:s5+$0x3F0] =	vst v1  }
0x2b: {  	[tilespmem:s5+$0x380] =	vst v1  }
0x2c: {  	[tilespmem:s5+$0x390] =	vst v1  }
0x2d: {  	[tilespmem:s5+$0x3A0] =	vst v1  }
0x2e: {  	[tilespmem:s5+$0x3B0] =	vst v1  }
0x2f: {  	[tilespmem:s5+$0x3C0] =	vst v1  }
0x30: {  	[tilespmem:s5+$0x3D0] =	vst v1  }
0x31: {  	[tilespmem:s5+$0x3E0] =	vst v1;
	s5 =	simm.s32 @p0 $0x380;
	s7 =	simm.s32 @p0 $0x7  }
0x32: {  	[spmem:s12] =	stream.linear.scatter @p0 [tilespmem:s5], [sflag:$0x7], $0x4000, $0x38;
	[tilespmem:$0x1BC00] =	vst v63  }
0x33: {  	_ =	swait.ge @p0 [sflag:s7], $0x4000  }
0x34: {  	[sflag:s7] =	ssyncset.done @p0 $0x0  }
0x35: {  	s6 =	rddreg [dreg:$0x13];
	[sflag:s7] =	ssyncadd.s32 @p0 $0xFFFFC000  }
0x36: {  	[spmem:s6] =	stream.linear.scatter @p0 [tilespmem:s5], [sflag:$0x7], $0x4000, $0x38;
	[tilespmem:$0x1BC00] =	vst v63  }
0x37: {  	_ =	swait.ge @p0 [sflag:s7], $0x4000  }
0x38: {  	[sflag:s7] =	ssyncset.done @p0 $0x0  }
0x39: {  	s6 =	rddreg [dreg:$0x14];
	[sflag:s7] =	ssyncadd.s32 @p0 $0xFFFFC000  }
0x3a: {  	[spmem:s6] =	stream.linear.scatter @p0 [tilespmem:s5], [sflag:$0x7], $0x4000, $0x38;
	[tilespmem:$0x1BC00] =	vst v63  }
0x3b: {  	_ =	swait.ge @p0 [sflag:s7], $0x4000  }
0x3c: {  	[sflag:s7] =	ssyncset.done @p0 $0x0  }
0x3d: {  	[sflag:s7] =	ssyncadd.s32 @p0 $0xFFFFC000  }
0x3e: {  	[spmem:s25] =	stream.linear.scatter @p0 [tilespmem:s5], [sflag:$0x7], $0x800, $0x38;
	[tilespmem:$0x1BC00] =	vst v63  }
0x3f: {  	_ =	swait.ge @p0 [sflag:s7], $0x800  }
0x40: {  	[sflag:s7] =	ssyncset.done @p0 $0x0  }
0x41: {  	s5 =	simm.s32 @!p0 $0x380;
	[sflag:s7] =	ssyncadd.s32 @p0 $0xFFFFF800;
	s7 =	simm.s32 @!p0 $0x7  }
0x42: {  	[spmem:s29] =	stream.linear.scatter @!p0 [tilespmem:s5], [sflag:$0x7], $0x4000, $0x38;
	[tilespmem:$0x1BC00] =	vst v63  }
0x43: {  	_ =	swait.ge @!p0 [sflag:s7], $0x4000  }
0x44: {  	[sflag:s7] =	ssyncset.done @!p0 $0x0  }
0x45: {  	[sflag:s7] =	ssyncadd.s32 @!p0 $0xFFFFC000  }
0x46: {  	[spmem:s26] =	stream.linear.scatter @!p0 [tilespmem:s5], [sflag:$0x7], $0x4000, $0x38;
	[tilespmem:$0x1BC00] =	vst v63  }
0x47: {  	_ =	swait.ge @!p0 [sflag:s7], $0x4000  }
0x48: {  	[sflag:s7] =	ssyncset.done @!p0 $0x0  }
0x49: {  	[sflag:s7] =	ssyncadd.s32 @!p0 $0xFFFFC000  }
0x4a: {  	[spmem:s28] =	stream.linear.scatter @!p0 [tilespmem:s5], [sflag:$0x7], $0x4000, $0x38;
	[tilespmem:$0x1BC00] =	vst v63  }
0x4b: {  	_ =	swait.ge @!p0 [sflag:s7], $0x4000  }
0x4c: {  	[sflag:s7] =	ssyncset.done @!p0 $0x0  }
0x4d: {  	s6 =	rddreg [dreg:$0x11];
	[sflag:s7] =	ssyncadd.s32 @!p0 $0xFFFFC000  }
0x4e: {  	[spmem:s6] =	stream.linear.scatter @!p0 [tilespmem:s5], [sflag:$0x7], $0x4000, $0x38;
	[tilespmem:$0x1BC00] =	vst v63  }
0x4f: {  	_ =	swait.ge @!p0 [sflag:s7], $0x4000  }
0x50: {  	[sflag:s7] =	ssyncset.done @!p0 $0x0  }
0x51: {  	s6 =	rddreg [dreg:$0x12];
	[sflag:s7] =	ssyncadd.s32 @!p0 $0xFFFFC000  }
0x52: {  	[spmem:s6] =	stream.linear.scatter @!p0 [tilespmem:s5], [sflag:$0x7], $0x4000, $0x38;
	[tilespmem:$0x1BC00] =	vst v63  }
0x53: {  	_ =	swait.ge @!p0 [sflag:s7], $0x4000  }
0x54: {  	[sflag:s7] =	ssyncset.done @!p0 $0x0  }
0x55: {  	s5 =	simm.s32 $0x0;
	s18 =	rddreg [dreg:$0x4];
	[sflag:s7] =	ssyncadd.s32 @!p0 $0xFFFFC000  }
0x56: {  	[tilespmem:s5], [sflag:$0x3] =	stream.linear.gather [hbm4b:s18+s5], $0x100, $0x38;
	[tilespmem:$0x1BC00] =	vst v63  }
0x57: {  	s23 =	rddreg [dreg:$0x5]  }
0x58: {  	[tilespmem:s30], [sflag:$0x4] =	stream.linear.gather [hbm4b:s23+s5], $0x100, $0x38;
	[tilespmem:$0x1BC00] =	vst v63  }
.LBB2_4:
0x59: {  	_ =	swait.ge [sflag:s31], $0x100  }
0x5a: {  	p2 =	seq.s32 s5, $0x0;
	[sflag:s31] =	ssyncset.done $0x0  }
0x5b: {  	s7 =	simm.s32 @!p2 $0x5;
	[sflag:s31] =	ssyncadd.s32 $0xFFFFFF00  }
0x5c: {  	_ =	swait.ge @!p2 [sflag:s7], $0x4000  }
0x5d: {  	[sflag:s7] =	ssyncset.done @!p2 $0x0  }
0x5e: {  	[sflag:s7] =	ssyncadd.s32 @!p2 $0xFFFFC000  }
0x5f: {  	v3 =	vld [tilespmem:$0x0]  }
0x60: {  	v4 =	vld [tilespmem:$0x10]  }
0x61: {  	v35 =	vld [tilespmem:$0x80]  }
0x62: {  	v37 =	vld [tilespmem:$0x90]  }
0x63: {  	v39 =	vld [tilespmem:$0xA0]  }
0x64: {  	v5 =	vld [tilespmem:$0x20]  }
0x65: {  	v6 =	vld [tilespmem:$0x30]  }
0x66: {  	v7 =	vld [tilespmem:$0x40];
	[tilespmem:$0x200] =	vst v35  }
0x67: {  	v8 =	vld [tilespmem:$0x50];
	v3 =	vshll.u32 v3, $0x1;
	[tilespmem:$0x210] =	vst v37  }
0x68: {  	v9 =	vld [tilespmem:$0x60];
	v4 =	vshll.u32 v4, $0x1;
	[tilespmem:$0x220] =	vst v39;
	v3 =	vor.u32 v0, v3  }
0x69: {  	v31 =	vld [tilespmem:$0x70];
	v30 =	vshll.u32 v5, $0x1;
	[tilespmem:$0x0] =	vst v3;
	v3 =	vor.u32 v0, v4  }
0x6a: {  	v32 =	vshll.u32 v6, $0x1;
	[tilespmem:$0x10] =	vst v3;
	v3 =	vor.u32 v0, v30  }
0x6b: {  	v33 =	vshll.u32 v7, $0x1;
	[tilespmem:$0x20] =	vst v3;
	v3 =	vor.u32 v0, v32  }
0x6c: {  	v40 =	vld [tilespmem:$0xB0];
	v34 =	vshll.u32 v8, $0x1;
	[tilespmem:$0x30] =	vst v3;
	v3 =	vor.u32 v0, v33  }
0x6d: {  	v41 =	vld [tilespmem:$0xD0];
	v36 =	vshll.u32 v9, $0x1;
	[tilespmem:$0x40] =	vst v3;
	v3 =	vor.u32 v0, v34  }
0x6e: {  	v42 =	vld [tilespmem:$0xE0];
	v38 =	vshll.u32 v31, $0x1;
	[tilespmem:$0x50] =	vst v3;
	v3 =	vor.u32 v0, v36  }
0x6f: {  	v43 =	vld [tilespmem:$0xF0];
	[tilespmem:$0x60] =	vst v3;
	v3 =	vor.u32 v0, v38  }
0x70: {  	[tilespmem:$0x70] =	vst v3;
	v3 =	vld [tilespmem:$0xC0]  }
0x71: {  	[tilespmem:$0x230] =	vst v40  }
0x72: {  	[tilespmem:$0x250] =	vst v41  }
0x73: {  	[tilespmem:$0x260] =	vst v42  }
0x74: {  	[tilespmem:$0x270] =	vst v43  }
0x75: {  	[tilespmem:$0x240] =	vst v3  }
0x76: {  	[tilespmem:s3], [sflag:$0x1] =	stream.indirect.gather [hbm4b:s4+s0], $0x80, s2, s0, $0xb8;
	[tilespmem:$0x1BC00] =	vst v63  }
0x77: {  	_ =	swait.ge [sflag:s8], $0x100  }
0x78: {  	[sflag:s8] =	ssyncset.done $0x0  }
0x79: {  	s7 =	simm.s32 @!p2 $0x6;
	[sflag:s8] =	ssyncadd.s32 $0xFFFFFF00  }
0x7a: {  	_ =	swait.ge @!p2 [sflag:s7], $0x4000  }
0x7b: {  	[sflag:s7] =	ssyncset.done @!p2 $0x0  }
0x7c: {  	[sflag:s7] =	ssyncadd.s32 @!p2 $0xFFFFC000  }
0x7d: {  	v3 =	vld [tilespmem:$0x100]  }
0x7e: {  	v44 =	vld [tilespmem:$0x110]  }
0x7f: {  	v55 =	vld [tilespmem:$0x180]  }
0x80: {  	v57 =	vld [tilespmem:$0x190]  }
0x81: {  	v59 =	vld [tilespmem:$0x1A0]  }
0x82: {  	v45 =	vld [tilespmem:$0x120]  }
0x83: {  	v46 =	vld [tilespmem:$0x130]  }
0x84: {  	v47 =	vld [tilespmem:$0x140];
	[tilespmem:$0x280] =	vst v55  }
0x85: {  	v48 =	vld [tilespmem:$0x150];
	v3 =	vshll.u32 v3, $0x1;
	[tilespmem:$0x290] =	vst v57  }
0x86: {  	v49 =	vld [tilespmem:$0x160];
	v4 =	vshll.u32 v44, $0x1;
	[tilespmem:$0x2A0] =	vst v59;
	v3 =	vor.u32 v0, v3  }
0x87: {  	v51 =	vld [tilespmem:$0x170];
	v50 =	vshll.u32 v45, $0x1;
	[tilespmem:$0x100] =	vst v3;
	v3 =	vor.u32 v0, v4  }
0x88: {  	v52 =	vshll.u32 v46, $0x1;
	[tilespmem:$0x110] =	vst v3;
	v3 =	vor.u32 v0, v50  }
0x89: {  	v53 =	vshll.u32 v47, $0x1;
	[tilespmem:$0x120] =	vst v3;
	v3 =	vor.u32 v0, v52  }
0x8a: {  	v60 =	vld [tilespmem:$0x1B0];
	v54 =	vshll.u32 v48, $0x1;
	[tilespmem:$0x130] =	vst v3;
	v3 =	vor.u32 v0, v53  }
0x8b: {  	v61 =	vld [tilespmem:$0x1D0];
	v56 =	vshll.u32 v49, $0x1;
	[tilespmem:$0x140] =	vst v3;
	v3 =	vor.u32 v0, v54  }
0x8c: {  	v62 =	vld [tilespmem:$0x1E0];
	v58 =	vshll.u32 v51, $0x1;
	[tilespmem:$0x150] =	vst v3;
	v3 =	vor.u32 v0, v56  }
0x8d: {  	v63 =	vld [tilespmem:$0x1F0];
	[tilespmem:$0x160] =	vst v3;
	v3 =	vor.u32 v0, v58  }
0x8e: {  	[tilespmem:$0x170] =	vst v3;
	v3 =	vld [tilespmem:$0x1C0]  }
0x8f: {  	[tilespmem:$0x2B0] =	vst v60  }
0x90: {  	[tilespmem:$0x2D0] =	vst v61  }
0x91: {  	[tilespmem:$0x2E0] =	vst v62  }
0x92: {  	p2 =	seq.s32 s5, $0x980;
	[tilespmem:$0x2F0] =	vst v63  }
.Ltmp1:
0x93: {  	[tilespmem:$0x2C0] =	vst v3;
	(pc) =	sbr.rel @p2 .LBB2_6-.Ltmp1, $4  }
0x94: {  	[tilespmem:s9], [sflag:$0x2] =	stream.indirect.gather [hbm4b:s4+s0], $0x80, s30, s0, $0xb8;
	[tilespmem:$0x1BC00] =	vst v63  }
0x95: {  	_ =	swait.ge [sflag:s10], $0x4000  }
0x96: {  	[sflag:s10] =	ssyncset.done $0x0  }
0x97: {  	[sflag:s10] =	ssyncadd.s32 $0xFFFFC000  }
0x98: {  	s7 =	sadd.s32 s5, s20  }
0x99: {  	s17 =	sadd.s32 $0x40, s7  }
0x9a: {  	[tilespmem:s2], [sflag:$0x3] =	stream.linear.gather [hbm4b:s17+s2], $0x100, $0x38;
	[tilespmem:$0x1BC00] =	vst v63  }
0x9b: {  	_ = 	snop  }
0x9c: {  	[spmem:s1] =	stream.indirect.scatter.add.f32 [tilespmem:s3], [sflag:$0x5], $0x80, s11, s0, $0xb8;
	[tilespmem:$0x1BC00] =	vst v63  }
0x9d: {  	_ =	swait.ge [sflag:s13], $0x4000  }
.Ltmp2:
0x9e: {  	[sflag:s13] =	ssyncset.done $0x0;
	(pc) =	sbr.rel .LBB2_4-.Ltmp2, $4  }
0x9f: {  	s7 =	sadd.s32 $0x60, s7;
	[sflag:s13] =	ssyncadd.s32 $0xFFFFC000  }
0xa0: {  	[tilespmem:s30], [sflag:$0x4] =	stream.linear.gather [hbm4b:s7+s2], $0x100, $0x38;
	[tilespmem:$0x1BC00] =	vst v63  }
0xa1: {  	s5 =	sadd.s32 $0x40, s5  }
0xa2: {  	[spmem:s1] =	stream.indirect.scatter.add.f32 [tilespmem:s9], [sflag:$0x6], $0x80, s14, s0, $0xb8;
	[tilespmem:$0x1BC00] =	vst v63  }
.LBB2_6:
0xa3: {  	[spmem:s1] =	stream.indirect.scatter.add.f32 [tilespmem:s3], [sflag:$0x5], $0x80, s11, s0, $0xb8;
	[tilespmem:$0x1BC00] =	vst v63  }
0xa4: {  	_ =	swait.ge [sflag:s13], $0x4000  }
0xa5: {  	[sflag:s13] =	ssyncset.done $0x0  }
0xa6: {  	[sflag:s13] =	ssyncadd.s32 $0xFFFFC000  }
0xa7: {  	[spmem:s1] =	stream.indirect.scatter.add.f32 [tilespmem:s9], [sflag:$0x6], $0x80, s14, s0, $0xb8;
	[tilespmem:$0x1BC00] =	vst v63  }
0xa8: {  	_ =	swait.ge [sflag:s15], $0x4000  }
0xa9: {  	[sflag:s15] =	ssyncset.done $0x0  }
0xaa: {  	[sflag:s15] =	ssyncadd.s32 $0xFFFFC000  }
0xab: {  	_ =	swait.ge [sflag:s16], $0x4000  }
0xac: {  	[sflag:s16] =	ssyncset.done $0x0  }
0xad: {  	s5 =	rddreg [dreg:$0x6];
	[sflag:s16] =	ssyncadd.s32 $0xFFFFC000  }
0xae: {  	[tilespmem:s2], [sflag:$0x7] =	stream.linear.gather [hbm4b:s5+s2], $0x20, $0x38;
	[tilespmem:$0x1BC00] =	vst v63  }
0xaf: {  	_ =	swait.ge [sflag:s19], $0x20  }
0xb0: {  	[sflag:s19] =	ssyncset.done $0x0  }
0xb1: {  	[sflag:s19] =	ssyncadd.s32 $0xFFFFFFE0  }
0xb2: {  	v3 =	vld [tilespmem:$0x0]  }
0xb3: {  	v4 =	vld [tilespmem:$0x10];
	_ =	sdelay $0x3  }
0xb4: {  	v3 =	vshll.u32 v3, $0x1  }
0xb5: {  	[tilespmem:$0x300] =	vst v4;
	v3 =	vor.u32 v0, v3  }
0xb6: {  	s23 =	simm.s32 $0x10;
	[tilespmem:$0x0] =	vst v3  }
0xb7: {  	[tilespmem:s3], [sflag:$0x1] =	stream.indirect.gather [hbm4b:s4+s23], $0x80, s2, s23, $0xb8;
	[tilespmem:$0x1BC00] =	vst v63  }
0xb8: {  	_ =	swait.ge [sflag:s10], $0x800  }
0xb9: {  	[sflag:s10] =	ssyncset.done $0x0  }
0xba: {  	s6 =	simm.s32 $0x300;
	[sflag:s10] =	ssyncadd.s32 $0xFFFFF800  }
0xbb: {  	[spmem:s1] =	stream.indirect.scatter.add.f32 [tilespmem:s3], [sflag:$0x7], $0x80, s6, s23, $0xb8;
	[tilespmem:$0x1BC00] =	vst v63  }
0xbc: {  	_ =	swait.ge [sflag:s19], $0x800  }
0xbd: {  	[sflag:s19] =	ssyncset.done $0x0  }
0xbe: {  	[sflag:s19] =	ssyncadd.s32 $0xFFFFF800  }
0xbf: {  	[bflag:$0x0] =	sbarrier.arrive $0xFFFF  }
0xc0: {  	s7 =	simm.s32 @p0 $0x1FC7;
	s5 =	sshrl.u32 @p0 s12, $0x3;
	s17 =	rddreg [dreg:$0x8]  }
0xc1: {  	[hbm:s17], [sflag:s7] =	dma.local @p0 [spmem:s5], $0x1900  }
0xc2: {  	s7 =	simm.s32 @p0 $0x7;
	s17 =	stileid.u32  }
0xc3: {  	_ =	swait.ge @p0 [sflag:s7], $0x1900;
	s17 =	sshll.u32 @!p0 s17, $0x6  }
0xc4: {  	[sflag:s7] =	ssyncset.done @p0 $0x0;
	s23 =	sor.u32 @!p0 $0x1C07, s17  }
0xc5: {  	s17 =	rddreg [dreg:$0x7];
	[sflag:s7] =	ssyncadd.s32 @p0 $0xFFFFE700;
	s7 =	sshrl.u32 @!p0 s29, $0x3  }
0xc6: {  	[hbm:s17], [sflag:s23] =	dma.local @!p0 [spmem:s7], $0x2800  }
0xc7: {  	s17 =	simm.s32 @!p0 $0x7  }
0xc8: {  	_ =	swait.ge @!p0 [sflag:s17], $0x2800  }
0xc9: {  	[sflag:s17] =	ssyncset.done @!p0 $0x0  }
0xca: {  	s18 =	simm.s32 $0x200;
	[sflag:s17] =	ssyncadd.s32 @!p0 $0xFFFFD800;
	s17 =	simm.s32 $0x0  }
.LBB2_7:
0xcb: {  	p2 =	sne.s32 s18, $0xFE00;
	[tilespmem:s17+$0x43F0] =	vst v1  }
0xcc: {  	[tilespmem:s17+$0x4380] =	vst v1  }
0xcd: {  	[tilespmem:s17+$0x4390] =	vst v1  }
.Ltmp3:
0xce: {  	[tilespmem:s17+$0x43A0] =	vst v1;
	(pc) =	sbr.rel @p2 .LBB2_7-.Ltmp3, $4  }
0xcf: {  	[tilespmem:s17+$0x43B0] =	vst v1  }
0xd0: {  	[tilespmem:s17+$0x43C0] =	vst v1  }
0xd1: {  	[tilespmem:s17+$0x43D0] =	vst v1  }
0xd2: {  	[tilespmem:s17+$0x43E0] =	vst v1;
	s17 =	sshra.s32 s18, $0x2;
	s18 =	sadd.s32 $0x200, s18  }
0xd3: {  	[tilespmem:s17+$0x43F0] =	vst v1  }
0xd4: {  	[tilespmem:s17+$0x4380] =	vst v1  }
0xd5: {  	[tilespmem:s17+$0x4390] =	vst v1  }
0xd6: {  	[tilespmem:s17+$0x43A0] =	vst v1  }
0xd7: {  	[tilespmem:s17+$0x43B0] =	vst v1  }
0xd8: {  	[tilespmem:s17+$0x43C0] =	vst v1  }
0xd9: {  	[tilespmem:s17+$0x43D0] =	vst v1  }
0xda: {  	[tilespmem:s17+$0x43E0] =	vst v1;
	s17 =	simm.s32 @p0 $0x4380;
	s18 =	simm.s32 @p0 $0x7  }
0xdb: {  	[spmem:s12] =	stream.linear.scatter @p0 [tilespmem:s17], [sflag:$0x7], $0x4000, $0x38;
	[tilespmem:$0x1BC00] =	vst v63  }
0xdc: {  	_ =	swait.ge @p0 [sflag:s18], $0x4000  }
0xdd: {  	[sflag:s18] =	ssyncset.done @p0 $0x0  }
0xde: {  	s6 =	rddreg [dreg:$0x13];
	[sflag:s18] =	ssyncadd.s32 @p0 $0xFFFFC000  }
0xdf: {  	[spmem:s6] =	stream.linear.scatter @p0 [tilespmem:s17], [sflag:$0x7], $0x4000, $0x38;
	[tilespmem:$0x1BC00] =	vst v63  }
0xe0: {  	_ =	swait.ge @p0 [sflag:s18], $0x4000  }
0xe1: {  	[sflag:s18] =	ssyncset.done @p0 $0x0  }
0xe2: {  	s6 =	rddreg [dreg:$0x14];
	[sflag:s18] =	ssyncadd.s32 @p0 $0xFFFFC000  }
0xe3: {  	[spmem:s6] =	stream.linear.scatter @p0 [tilespmem:s17], [sflag:$0x7], $0x4000, $0x38;
	[tilespmem:$0x1BC00] =	vst v63  }
0xe4: {  	_ =	swait.ge @p0 [sflag:s18], $0x4000  }
0xe5: {  	[sflag:s18] =	ssyncset.done @p0 $0x0  }
0xe6: {  	[sflag:s18] =	ssyncadd.s32 @p0 $0xFFFFC000  }
0xe7: {  	[spmem:s25] =	stream.linear.scatter @p0 [tilespmem:s17], [sflag:$0x7], $0x800, $0x38;
	[tilespmem:$0x1BC00] =	vst v63  }
0xe8: {  	_ =	swait.ge @p0 [sflag:s18], $0x800  }
0xe9: {  	[sflag:s18] =	ssyncset.done @p0 $0x0  }
0xea: {  	s17 =	simm.s32 @!p0 $0x4380;
	[sflag:s18] =	ssyncadd.s32 @p0 $0xFFFFF800;
	s18 =	simm.s32 @!p0 $0x7  }
0xeb: {  	[spmem:s29] =	stream.linear.scatter @!p0 [tilespmem:s17], [sflag:$0x7], $0x4000, $0x38;
	[tilespmem:$0x1BC00] =	vst v63  }
0xec: {  	_ =	swait.ge @!p0 [sflag:s18], $0x4000  }
0xed: {  	[sflag:s18] =	ssyncset.done @!p0 $0x0  }
0xee: {  	[sflag:s18] =	ssyncadd.s32 @!p0 $0xFFFFC000  }
0xef: {  	[spmem:s26] =	stream.linear.scatter @!p0 [tilespmem:s17], [sflag:$0x7], $0x4000, $0x38;
	[tilespmem:$0x1BC00] =	vst v63  }
0xf0: {  	_ =	swait.ge @!p0 [sflag:s18], $0x4000  }
0xf1: {  	[sflag:s18] =	ssyncset.done @!p0 $0x0  }
0xf2: {  	[sflag:s18] =	ssyncadd.s32 @!p0 $0xFFFFC000  }
0xf3: {  	[spmem:s28] =	stream.linear.scatter @!p0 [tilespmem:s17], [sflag:$0x7], $0x4000, $0x38;
	[tilespmem:$0x1BC00] =	vst v63  }
0xf4: {  	_ =	swait.ge @!p0 [sflag:s18], $0x4000  }
0xf5: {  	[sflag:s18] =	ssyncset.done @!p0 $0x0  }
0xf6: {  	s12 =	smov.u32 s28;
	s28 =	rddreg [dreg:$0x11];
	[sflag:s18] =	ssyncadd.s32 @!p0 $0xFFFFC000  }
0xf7: {  	[spmem:s28] =	stream.linear.scatter @!p0 [tilespmem:s17], [sflag:$0x7], $0x4000, $0x38;
	[tilespmem:$0x1BC00] =	vst v63  }
0xf8: {  	_ =	swait.ge @!p0 [sflag:s18], $0x4000  }
0xf9: {  	[sflag:s18] =	ssyncset.done @!p0 $0x0  }
0xfa: {  	s28 =	rddreg [dreg:$0x12];
	[sflag:s18] =	ssyncadd.s32 @!p0 $0xFFFFC000  }
0xfb: {  	[spmem:s28] =	stream.linear.scatter @!p0 [tilespmem:s17], [sflag:$0x7], $0x4000, $0x38;
	[tilespmem:$0x1BC00] =	vst v63  }
0xfc: {  	_ =	swait.ge @!p0 [sflag:s18], $0x4000  }
0xfd: {  	s6 =	smov.u32 s29;
	[sflag:s18] =	ssyncset.done @!p0 $0x0  }
0xfe: {  	s17 =	simm.s32 $0x0;
	[sflag:s18] =	ssyncadd.s32 @!p0 $0xFFFFC000;
	s18 =	simm.s32 $0x200  }
.LBB2_9:
0xff: {  	p2 =	sne.s32 s18, $0xFE00;
	[tilespmem:s17+$0x3F0] =	vst v2  }
0x100: {  	[tilespmem:s17+$0x380] =	vst v2  }
0x101: {  	[tilespmem:s17+$0x390] =	vst v2  }
.Ltmp4:
0x102: {  	[tilespmem:s17+$0x3A0] =	vst v2;
	(pc) =	sbr.rel @p2 .LBB2_9-.Ltmp4, $4  }
0x103: {  	[tilespmem:s17+$0x3B0] =	vst v2  }
0x104: {  	[tilespmem:s17+$0x3C0] =	vst v2  }
0x105: {  	[tilespmem:s17+$0x3D0] =	vst v2  }
0x106: {  	[tilespmem:s17+$0x3E0] =	vst v2;
	s17 =	sshra.s32 s18, $0x2;
	s18 =	sadd.s32 $0x200, s18  }
0x107: {  	[tilespmem:s17+$0x3F0] =	vst v2  }
0x108: {  	[tilespmem:s17+$0x380] =	vst v2  }
0x109: {  	[tilespmem:s17+$0x390] =	vst v2  }
0x10a: {  	[tilespmem:s17+$0x3A0] =	vst v2  }
0x10b: {  	[tilespmem:s17+$0x3B0] =	vst v2  }
0x10c: {  	[tilespmem:s17+$0x3C0] =	vst v2  }
0x10d: {  	[tilespmem:s17+$0x3D0] =	vst v2  }
0x10e: {  	[tilespmem:s17+$0x3E0] =	vst v2  }
0x10f: {  	[bflag:$0x0] =	sbarrier.arrive $0xFFFF  }
0x110: {  	s28 =	smov.u32 s25;
	s25 =	simm.s32 $0x0;
	s18 =	rddreg [dreg:$0xe]  }
0x111: {  	[tilespmem:s11], [sflag:$0x7] =	stream.linear.gather [hbm4b:s18+s25], $0x80, $0x38;
	[tilespmem:$0x1BC00] =	vst v63  }
0x112: {  	_ =	swait.ge [sflag:s19], $0x80  }
0x113: {  	[sflag:s19] =	ssyncset.done $0x0  }
0x114: {  	[sflag:s19] =	ssyncadd.s32 $0xFFFFFF80  }
0x115: {  	[spmem:s1] =	stream.indirect.scatter.add.f32 [tilespmem:s3], [sflag:$0x5], $0x80, s11, s0, $0xb8;
	[tilespmem:$0x1BC00] =	vst v63  }
0x116: {  	s29 =	smov.u32 s26;
	s26 =	rddreg [dreg:$0xf]  }
0x117: {  	[tilespmem:s14], [sflag:$0x7] =	stream.linear.gather [hbm4b:s26+s25], $0x80, $0x38;
	[tilespmem:$0x1BC00] =	vst v63  }
0x118: {  	_ =	swait.ge [sflag:s19], $0x80  }
0x119: {  	[sflag:s19] =	ssyncset.done $0x0  }
0x11a: {  	[sflag:s19] =	ssyncadd.s32 $0xFFFFFF80  }
0x11b: {  	[spmem:s1] =	stream.indirect.scatter.add.f32 [tilespmem:s3], [sflag:$0x6], $0x80, s14, s0, $0xb8;
	[tilespmem:$0x1BC00] =	vst v63  }
0x11c: {  	_ =	swait.ge [sflag:s15], $0x4000  }
0x11d: {  	[sflag:s15] =	ssyncset.done $0x0  }
0x11e: {  	s25 =	sadd.s32 $0x0, s22;
	[sflag:s15] =	ssyncadd.s32 $0xFFFFC000  }
0x11f: {  	[tilespmem:s11], [sflag:$0x7] =	stream.linear.gather [hbm4b:s25+s2], $0x80, $0x38;
	[tilespmem:$0x1BC00] =	vst v63  }
0x120: {  	_ =	swait.ge [sflag:s19], $0x80  }
0x121: {  	[sflag:s19] =	ssyncset.done $0x0  }
0x122: {  	[sflag:s19] =	ssyncadd.s32 $0xFFFFFF80  }
0x123: {  	[spmem:s1] =	stream.indirect.scatter.add.f32 [tilespmem:s3], [sflag:$0x5], $0x80, s11, s0, $0xb8;
	[tilespmem:$0x1BC00] =	vst v63  }
0x124: {  	_ =	swait.ge [sflag:s16], $0x4000  }
0x125: {  	[sflag:s16] =	ssyncset.done $0x0  }
0x126: {  	s26 =	sadd.s32 $0x0, s21;
	[sflag:s16] =	ssyncadd.s32 $0xFFFFC000  }
0x127: {  	[tilespmem:s14], [sflag:$0x7] =	stream.linear.gather [hbm4b:s26+s2], $0x80, $0x38;
	[tilespmem:$0x1BC00] =	vst v63  }
0x128: {  	_ =	swait.ge [sflag:s19], $0x80  }
0x129: {  	[sflag:s19] =	ssyncset.done $0x0  }
0x12a: {  	s17 =	simm.s32 $0x40;
	[sflag:s19] =	ssyncadd.s32 $0xFFFFFF80  }
.LBB2_11:
0x12b: {  	[spmem:s1] =	stream.indirect.scatter.add.f32 [tilespmem:s3], [sflag:$0x6], $0x80, s14, s0, $0xb8;
	[tilespmem:$0x1BC00] =	vst v63  }
0x12c: {  	s18 =	smov.u32 s17  }
0x12d: {  	p2 =	sne.s32 s17, $0x440;
	s17 =	sadd.s32 $0x40, s17;
	_ =	swait.ge [sflag:s15], $0x4000  }
0x12e: {  	[sflag:s15] =	ssyncset.done $0x0  }
0x12f: {  	s25 =	sadd.s32 s18, s22;
	[sflag:s15] =	ssyncadd.s32 $0xFFFFC000  }
0x130: {  	[tilespmem:s11], [sflag:$0x7] =	stream.linear.gather [hbm4b:s25+s2], $0x80, $0x38;
	[tilespmem:$0x1BC00] =	vst v63  }
0x131: {  	_ =	swait.ge [sflag:s19], $0x80  }
0x132: {  	[sflag:s19] =	ssyncset.done $0x0  }
0x133: {  	[sflag:s19] =	ssyncadd.s32 $0xFFFFFF80  }
0x134: {  	[spmem:s1] =	stream.indirect.scatter.add.f32 [tilespmem:s3], [sflag:$0x5], $0x80, s11, s0, $0xb8;
	[tilespmem:$0x1BC00] =	vst v63  }
0x135: {  	_ =	swait.ge [sflag:s16], $0x4000  }
0x136: {  	[sflag:s16] =	ssyncset.done $0x0  }
.Ltmp5:
0x137: {  	s18 =	sadd.s32 s18, s21;
	[sflag:s16] =	ssyncadd.s32 $0xFFFFC000;
	(pc) =	sbr.rel @p2 .LBB2_11-.Ltmp5, $4  }
0x138: {  	[tilespmem:s14], [sflag:$0x7] =	stream.linear.gather [hbm4b:s18+s2], $0x80, $0x38;
	[tilespmem:$0x1BC00] =	vst v63  }
0x139: {  	_ =	swait.ge [sflag:s19], $0x80  }
0x13a: {  	[sflag:s19] =	ssyncset.done $0x0  }
0x13b: {  	[sflag:s19] =	ssyncadd.s32 $0xFFFFFF80  }
0x13c: {  	[spmem:s1] =	stream.indirect.scatter.add.f32 [tilespmem:s3], [sflag:$0x6], $0x80, s14, s0, $0xb8;
	[tilespmem:$0x1BC00] =	vst v63  }
0x13d: {  	_ =	swait.ge [sflag:s15], $0x4000  }
0x13e: {  	[sflag:s15] =	ssyncset.done $0x0  }
0x13f: {  	s17 =	rddreg [dreg:$0x10];
	[sflag:s15] =	ssyncadd.s32 $0xFFFFC000  }
0x140: {  	[tilespmem:s11], [sflag:$0x7] =	stream.linear.gather [hbm4b:s17+s2], $0x80, $0x38;
	[tilespmem:$0x1BC00] =	vst v63  }
0x141: {  	_ =	swait.ge [sflag:s19], $0x80  }
0x142: {  	[sflag:s19] =	ssyncset.done $0x0  }
0x143: {  	[sflag:s19] =	ssyncadd.s32 $0xFFFFFF80  }
0x144: {  	[spmem:s1] =	stream.indirect.scatter.add.f32 [tilespmem:s3], [sflag:$0x5], $0x80, s11, s0, $0xb8;
	[tilespmem:$0x1BC00] =	vst v63  }
0x145: {  	_ =	swait.ge [sflag:s15], $0x4000  }
0x146: {  	[sflag:s15] =	ssyncset.done $0x0  }
0x147: {  	[sflag:s15] =	ssyncadd.s32 $0xFFFFC000  }
0x148: {  	_ =	swait.ge [sflag:s16], $0x4000  }
0x149: {  	s18 =	simm.s32 @!p1 $0x300;
	[sflag:s16] =	ssyncset.done $0x0  }
0x14a: {  	s17 =	simm.s32 @!p1 $0x0;
	s25 =	rddreg [dreg:$0x9];
	[sflag:s16] =	ssyncadd.s32 $0xFFFFC000  }
0x14b: {  	[tilespmem:s18], [sflag:$0x7] =	stream.linear.gather @!p1 [hbm4b:s25+s17], $0x10, $0x38;
	[tilespmem:$0x1BC00] =	vst v63  }
0x14c: {  	s17 =	simm.s32 @!p1 $0x7  }
0x14d: {  	_ =	swait.ge @!p1 [sflag:s17], $0x10  }
0x14e: {  	[sflag:s17] =	ssyncset.done @!p1 $0x0  }
0x14f: {  	s26 =	simm.s32 @!p1 $0x380;
	s25 =	simm.s32 @!p1 $0x10;
	[sflag:s17] =	ssyncadd.s32 @!p1 $0xFFFFFFF0  }
0x150: {  	[spmem:s1] =	stream.indirect.scatter.add.f32 @!p1 [tilespmem:s26], [sflag:$0x7], $0x80, s18, s25, $0xb8;
	[tilespmem:$0x1BC00] =	vst v63  }
0x151: {  	_ =	swait.ge @!p1 [sflag:s17], $0x800  }
0x152: {  	[sflag:s17] =	ssyncset.done @!p1 $0x0  }
0x153: {  	[sflag:s17] =	ssyncadd.s32 @!p1 $0xFFFFF800  }
0x154: {  	[bflag:$0x0] =	sbarrier.arrive $0xFFFF  }
0x155: {  	s17 =	simm.s32 @p0 $0x1FC7;
	s18 =	rddreg [dreg:$0xb]  }
0x156: {  	[hbm:s18], [sflag:s17] =	dma.local @p0 [spmem:s5], $0x1900  }
0x157: {  	s5 =	simm.s32 @p0 $0x7  }
0x158: {  	_ =	swait.ge @p0 [sflag:s5], $0x1900  }
0x159: {  	[sflag:s5] =	ssyncset.done @p0 $0x0  }
0x15a: {  	[sflag:s5] =	ssyncadd.s32 @p0 $0xFFFFE700;
	s5 =	rddreg [dreg:$0xa]  }
0x15b: {  	[hbm:s5], [sflag:s23] =	dma.local @!p0 [spmem:s7], $0x2800  }
0x15c: {  	s5 =	simm.s32 @!p0 $0x7  }
0x15d: {  	_ =	swait.ge @!p0 [sflag:s5], $0x2800  }
0x15e: {  	s24 =	sadd.s32 $0x1, s24;
	s26 =	rddreg [dreg:$0xc]  }
0x15f: {  	p2 =	sne.s32 s24, s26  }
.Ltmp6:
0x160: {  	_ = 	snop;
	(pc) =	sbr.rel @p2 .LBB2_1-.Ltmp6, $4  }
0x161: {  	_ = 	snop  }
0x162: {  	s25 =	smov.u32 s28  }
0x163: {  	s28 =	smov.u32 s12;
	[sflag:s5] =	ssyncset.done @!p0 $0x0;
	s12 =	rddreg [dreg:$0xd]  }
0x164: {  	[sflag:s5] =	ssyncadd.s32 @!p0 $0xFFFFD800;
	s26 =	smov.u32 s29;
	s29 =	smov.u32 s6  }
0x165: {  	_ =	sfence.sel $0x180000  }
0x166: {  	[bflag:$0x0] =	sbarrier.arrive $0xFFFF  }
0x167: {  	_ =	strace $0x90000047  }
0x168: {  	s0 =	stileid.u32;
	[bflag:$0x2] =	sbarrier.arrive $0xFFFF  }
0x169: {  	p0 =	sne.s32 s0, $0x0;
	s0 =	rddreg [dreg:$0x3]  }
0x16a: {  	s0 =	sadd.s32 @!p0 $0x100000, s0  }
0x16b: {  	[sflag:s0] =	ssyncadd.tile.s32 @!p0 $0x1;
	_ =	shalt  }
.Lfunc_end2:
_tile_overlayer_lowered:
.L_overlay_start_2:
0x16c: {  	(tag) =	ssettag $0x2  }
0x16d: {  	s0 =	rddreg [dreg:$0x0];
	s2 =	stileid.u32  }
0x16e: {  	s1 =	rddreg [dreg:$0x1];
	p0 =	sne.s32 s2, $0x0  }
0x16f: {  	s3 =	rddreg [dreg:$0x2];
	[bflag:$0x3] =	sbarrier.arrive $0xFFFF;
	s2 =	simm.s32 @!p0 $0x1C07  }
0x170: {  	[timem:s3], [sflag:s2] =	dma.local @!p0 [hbm:s0], s1  }
0x171: {  	s0 =	simm.s32 @!p0 $0x7  }
0x172: {  	_ =	swait.ge @!p0 [sflag:s0], s1  }
0x173: {  	s1 =	ssub.s32 @!p0 $0x0, s1;
	[sflag:s0] =	ssyncset.done @!p0 $0x0  }
0x174: {  	[sflag:s0] =	ssyncadd.s32 @!p0 s1  }
0x175: {  	[bflag:$0x3] =	sbarrier.arrive $0xFFFF  }
0x176: {  	_ =	shalt  }

</sc_bundles>
